<compile_context>
chip_gen: v7x
topology: tpu7x:2x2x1
jax: 0.10.2.dev20260603
libtpu: 0.0.44.dev20260713+nightly
codegen_flags: <defaults>
</compile_context>

<pallas_src>
import functools

import numpy as np

import jax
import jax.numpy as jnp
from jax import lax
from jax.experimental import pallas as pl
from jax.experimental.pallas import tpu as pltpu
from jax.experimental.pallas import tpu_sc as plsc

N = 10000
E = 320000
IN_F = 128
HID = 128
NCLS = 64

NC = 2
NS = 16
NW = NC * NS
K = 128
ITERS = 80
EPW = K * ITERS
E_PAD = NW * EPW
N_PAD = 10240
NPT = N_PAD // NS

_mesh = plsc.VectorSubcoreMesh(core_axis_name="c", subcore_axis_name="s")

_PAD_EDGES = np.broadcast_to(
    (N + np.arange(E_PAD - E) % (N_PAD - N)).astype(np.int32), (2, E_PAD - E))



@functools.partial(
    pl.kernel,
    out_type=jax.ShapeDtypeStruct((2 * 2 * N_PAD,), jnp.float32),
    mesh=_mesh,
    scratch_types=[
        pltpu.VMEM((2, K), jnp.int32),
        pltpu.VMEM((2, K), jnp.int32),
        pltpu.VMEM((K,), jnp.float32),
        pltpu.VMEM_SHARED((N_PAD,), jnp.float32),
        pltpu.VMEM_SHARED((N_PAD,), jnp.float32),
        pltpu.SemaphoreType.DMA,
        pltpu.SemaphoreType.DMA,
    ],
)
def _sc_degrees(ei_hbm, zeros_hbm, out_hbm,
                idx_a, idx_b, ones_v, dego_sh, degi_sh, sem_a, sem_b):
    cid = lax.axis_index("c")
    sid = lax.axis_index("s")
    pltpu.sync_copy(zeros_hbm, dego_sh.at[pl.ds(sid * NPT, NPT)])
    pltpu.sync_copy(zeros_hbm, degi_sh.at[pl.ds(sid * NPT, NPT)])
    for j in range(K // 16):
        ones_v[pl.ds(j * 16, 16)] = jnp.ones((16,), jnp.float32)
    plsc.subcore_barrier()

    base = (cid * NS + sid) * EPW

    def start_idx(buf, sem, t):
        off = base + lax.rem(t, ITERS) * K
        pltpu.async_copy(ei_hbm.at[:, pl.ds(off, K)], buf, sem)

    def wait_idx(buf, sem):
        pltpu.make_async_copy(ei_hbm.at[:, pl.ds(base, K)], buf, sem).wait()

    start_idx(idx_a, sem_a, 0)
    start_idx(idx_b, sem_b, 1)

    def body(j, carry):
        t = 2 * j
        wait_idx(idx_a, sem_a)
        pltpu.sync_copy(ones_v, dego_sh.at[idx_a.at[0]], add=True)
        pltpu.sync_copy(ones_v, degi_sh.at[idx_a.at[1]], add=True)
        start_idx(idx_a, sem_a, t + 2)
        wait_idx(idx_b, sem_b)
        pltpu.sync_copy(ones_v, dego_sh.at[idx_b.at[0]], add=True)
        pltpu.sync_copy(ones_v, degi_sh.at[idx_b.at[1]], add=True)
        start_idx(idx_b, sem_b, t + 3)
        return carry

    lax.fori_loop(0, ITERS // 2, body, 0)
    wait_idx(idx_a, sem_a)
    wait_idx(idx_b, sem_b)

    plsc.subcore_barrier()
    pltpu.sync_copy(dego_sh.at[pl.ds(sid * NPT, NPT)],
                    out_hbm.at[pl.ds(cid * N_PAD + sid * NPT, NPT)])
    pltpu.sync_copy(degi_sh.at[pl.ds(sid * NPT, NPT)],
                    out_hbm.at[pl.ds(2 * N_PAD + cid * N_PAD + sid * NPT, NPT)])


def _make_segsum(D, tc_tiling):
    @functools.partial(
        pl.kernel,
        out_type=jax.ShapeDtypeStruct((2 * N_PAD, D), jnp.float32),
        mesh=_mesh,
        compiler_params=pltpu.CompilerParams(use_tc_tiling_on_sc=tc_tiling),
        scratch_types=[
            pltpu.VMEM((2, K), jnp.int32),
            pltpu.VMEM((2, K), jnp.int32),
            pltpu.VMEM((K, D), jnp.float32),
            pltpu.VMEM((K, D), jnp.float32),
            pltpu.VMEM_SHARED((N_PAD, D), jnp.float32),
            pltpu.SemaphoreType.DMA,
            pltpu.SemaphoreType.DMA,
            pltpu.SemaphoreType.DMA,
            pltpu.SemaphoreType.DMA,
        ],
    )
    def segsum(h_hbm, ei_hbm, zeros_hbm, out_hbm,
               idx_a, idx_b, rows_a, rows_b, acc_sh,
               sem_ia, sem_ib, sem_ga, sem_gb):
        cid = lax.axis_index("c")
        sid = lax.axis_index("s")
        pltpu.sync_copy(zeros_hbm, acc_sh.at[pl.ds(sid * NPT, NPT)])
        plsc.subcore_barrier()

        base = (cid * NS + sid) * EPW

        def start_idx(buf, sem, t):
            off = base + lax.rem(t, ITERS) * K
            pltpu.async_copy(ei_hbm.at[:, pl.ds(off, K)], buf, sem)

        def wait_idx(buf, sem):
            pltpu.make_async_copy(ei_hbm.at[:, pl.ds(base, K)], buf, sem).wait()

        def start_gather(idx, rows, sem):
            pltpu.async_copy(h_hbm.at[idx.at[0]], rows, sem)

        def wait_gather(idx, rows, sem):
            pltpu.make_async_copy(h_hbm.at[idx.at[0]], rows, sem).wait()

        start_idx(idx_a, sem_ia, 0)
        start_idx(idx_b, sem_ib, 1)
        wait_idx(idx_a, sem_ia)
        start_gather(idx_a, rows_a, sem_ga)

        def body(j, carry):
            t = 2 * j
            wait_idx(idx_b, sem_ib)
            wait_gather(idx_a, rows_a, sem_ga)
            start_gather(idx_b, rows_b, sem_gb)
            pltpu.sync_copy(rows_a, acc_sh.at[idx_a.at[1]], add=True)
            start_idx(idx_a, sem_ia, t + 2)
            wait_idx(idx_a, sem_ia)
            wait_gather(idx_b, rows_b, sem_gb)
            start_gather(idx_a, rows_a, sem_ga)
            pltpu.sync_copy(rows_b, acc_sh.at[idx_b.at[1]], add=True)
            start_idx(idx_b, sem_ib, t + 3)
            return carry

        lax.fori_loop(0, ITERS // 2, body, 0)
        wait_idx(idx_b, sem_ib)
        wait_gather(idx_a, rows_a, sem_ga)

        plsc.subcore_barrier()
        pltpu.sync_copy(acc_sh.at[pl.ds(sid * NPT, NPT)],
                        out_hbm.at[pl.ds(cid * N_PAD + sid * NPT, NPT)])

    return segsum


_sc_segsum_hid = _make_segsum(HID, True)
_sc_segsum_cls = _make_segsum(NCLS, False)



_BM = 1024
_GRID = N_PAD // _BM


def _col(v):
    return jnp.transpose(v, (1, 0))


def _mm_body(x_ref, w_ref, o_ref):
    o_ref[...] = jnp.dot(x_ref[...], w_ref[...],
                         preferred_element_type=jnp.float32)


def _tc_matmul(x, w):
    d_in, d_out = w.shape
    return pl.pallas_call(
        _mm_body,
        grid=(_GRID,),
        in_specs=[
            pl.BlockSpec((_BM, d_in), lambda i: (i, 0)),
            pl.BlockSpec((d_in, d_out), lambda i: (0, 0)),
        ],
        out_specs=pl.BlockSpec((_BM, d_out), lambda i: (i, 0)),
        out_shape=jax.ShapeDtypeStruct((N_PAD, d_out), jnp.float32),
    )(x, w)


def _scale_body(z_ref, deg_ref, h_ref):
    d = deg_ref[...]
    no = _col(lax.rsqrt(jnp.maximum(d[0:1] + d[1:2], 1.0)))
    h_ref[...] = z_ref[...] * no


def _tc_scale(z1, degs):
    return pl.pallas_call(
        _scale_body,
        grid=(_GRID,),
        in_specs=[
            pl.BlockSpec((_BM, HID), lambda i: (i, 0)),
            pl.BlockSpec((4, _BM), lambda i: (0, i)),
        ],
        out_specs=pl.BlockSpec((_BM, HID), lambda i: (i, 0)),
        out_shape=jax.ShapeDtypeStruct((N_PAD, HID), jnp.float32),
    )(z1, degs)


def _layer2_body(p0_ref, p1_ref, deg_ref, b1_ref, w2_ref, x1_ref, h2_ref):
    d = deg_ref[...]
    no = _col(lax.rsqrt(jnp.maximum(d[0:1] + d[1:2], 1.0)))
    ni = _col(lax.rsqrt(jnp.maximum(d[2:3] + d[3:4], 1.0)))
    x1 = (p0_ref[...] + p1_ref[...]) * ni + b1_ref[...]
    x1_ref[...] = x1
    x = jnp.maximum(x1, 0.0)
    h2_ref[...] = jnp.dot(x, w2_ref[...],
                          preferred_element_type=jnp.float32) * no


def _tc_layer2(p, degs, b1, w2):
    return pl.pallas_call(
        _layer2_body,
        grid=(_GRID,),
        in_specs=[
            pl.BlockSpec((_BM, HID), lambda i: (i, 0)),
            pl.BlockSpec((_BM, HID), lambda i: (i + _GRID, 0)),
            pl.BlockSpec((4, _BM), lambda i: (0, i)),
            pl.BlockSpec((1, HID), lambda i: (0, 0)),
            pl.BlockSpec((HID, NCLS), lambda i: (0, 0)),
        ],
        out_specs=[
            pl.BlockSpec((_BM, HID), lambda i: (i, 0)),
            pl.BlockSpec((_BM, NCLS), lambda i: (i, 0)),
        ],
        out_shape=[
            jax.ShapeDtypeStruct((N, HID), jnp.float32),
            jax.ShapeDtypeStruct((N_PAD, NCLS), jnp.float32),
        ],
    )(p, p, degs, b1, w2)


def _final_body(q0_ref, q1_ref, deg_ref, b2_ref, o_ref):
    d = deg_ref[...]
    ni = _col(lax.rsqrt(jnp.maximum(d[2:3] + d[3:4], 1.0)))
    o_ref[...] = (q0_ref[...] + q1_ref[...]) * ni + b2_ref[...]


def _tc_final(q, degs, b2):
    return pl.pallas_call(
        _final_body,
        grid=(_GRID,),
        in_specs=[
            pl.BlockSpec((_BM, NCLS), lambda i: (i, 0)),
            pl.BlockSpec((_BM, NCLS), lambda i: (i + _GRID, 0)),
            pl.BlockSpec((4, _BM), lambda i: (0, i)),
            pl.BlockSpec((1, NCLS), lambda i: (0, 0)),
        ],
        out_specs=pl.BlockSpec((_BM, NCLS), lambda i: (i, 0)),
        out_shape=jax.ShapeDtypeStruct((N, NCLS), jnp.float32),
    )(q, q, degs, b2)



def kernel(features, edge_index, W1, b1, W2, b2):
    ei_pad = jnp.concatenate(
        [edge_index, jnp.asarray(_PAD_EDGES)], axis=1)
    x_pad = jnp.concatenate(
        [features, jnp.zeros((N_PAD - N, IN_F), jnp.float32)], axis=0)

    zeros_1d = jnp.zeros((NPT,), jnp.float32)
    zeros_hid = jnp.zeros((NPT, HID), jnp.float32)
    zeros_cls = jnp.zeros((NPT, NCLS), jnp.float32)

    degs = _sc_degrees(ei_pad, zeros_1d).reshape(4, N_PAD)

    z1 = _tc_matmul(x_pad, W1)
    h1 = _tc_scale(z1, degs)

    p = _sc_segsum_hid(h1, ei_pad, zeros_hid)
    x1, h2 = _tc_layer2(p, degs, b1.reshape(1, HID), W2)

    q = _sc_segsum_cls(h2, ei_pad, zeros_cls)
    x2 = _tc_final(q, degs, b2.reshape(1, NCLS))

    return (x2, x1)

# --- scband reference (transcript-rebuilt; emitter-appended) ---
"""Pipeline reference for scband-gcn-55113020342885 (READ-ONLY COPY).

The authoritative reference and input builder live on the scoring server;
editing this copy changes nothing except your own understanding.
"""

import jax, jax.numpy as jnp
import numpy as np

N = 10000
E = 320000
IN_F = 128
HID = 128
NCLS = 64


def glorot(key, shape):
    fan_in, fan_out = shape[0], shape[1]
    scale = jnp.sqrt(6.0 / (fan_in + fan_out))
    return jax.random.uniform(key, shape, dtype=jnp.float32, minval=-scale, maxval=scale)


def setup_inputs(seed: int = 0) -> dict:
    key = jax.random.key(seed)
    k1, k2, k3, k4 = jax.random.split(key, 4)
    features = jax.random.normal(k1, (N, IN_F), dtype=jnp.float32)
    edge_index = jax.random.randint(k2, (2, E), 0, N, dtype=jnp.int32)
    W1 = glorot(k3, (IN_F, HID))
    b1 = jnp.zeros((HID,), dtype=jnp.float32)
    W2 = glorot(k4, (HID, NCLS))
    b2 = jnp.zeros((NCLS,), dtype=jnp.float32)
    return {"features": features, "edge_index": edge_index, "W1": W1, "b1": b1, "W2": W2, "b2": b2}


def graph_conv(x, src, dst, W, b):
    # DGL GraphConv with norm='both': D_out^{-1/2} applied to src feats,
    # sum-aggregate over edges, D_in^{-1/2} applied at dst, then linear + bias.
    ones = jnp.ones(src.shape[0], dtype=x.dtype)
    deg_out = jnp.zeros((N,), dtype=x.dtype).at[src].add(ones)
    deg_in = jnp.zeros((N,), dtype=x.dtype).at[dst].add(ones)
    norm_out = jax.lax.rsqrt(jnp.maximum(deg_out, 1.0))
    norm_in = jax.lax.rsqrt(jnp.maximum(deg_in, 1.0))
    h = x * norm_out[:, None]
    h = h @ W
    msgs = jnp.take(h, src, axis=0)
    agg = jax.ops.segment_sum(msgs, dst, num_segments=N)
    return agg * norm_in[:, None] + b


def reference(features, edge_index, W1, b1, W2, b2):
    src = edge_index[0]
    dst = edge_index[1]
    x1 = graph_conv(features, src, dst, W1, b1)
    h = x1
    x = jax.nn.relu(x1)
    x2 = graph_conv(x, src, dst, W2, b2)
    return (x2, h)

if __name__ == "__main__":
    import jax
    _d = setup_inputs()
    print(jax.jit(kernel)(*tuple(_d.values())))

</pallas_src>

<mosaic_0001>
#map = affine_map<(d0, d1) -> (0, 0)>
module attributes {stable_mosaic.version = 14 : i64} {
  func.func @segsum(%arg0: i32, %arg1: i32, %arg2: memref<10240x64xf32, #tpu.memory_space<hbm>>, %arg3: memref<2x327680xi32, #tpu.memory_space<hbm>>, %arg4: memref<640x64xf32, #tpu.memory_space<hbm>>, %arg5: memref<20480x64xf32, #tpu.memory_space<hbm>>, %arg6: memref<2x128xi32, #tpu.memory_space<vmem>>, %arg7: memref<2x128xi32, #tpu.memory_space<vmem>>, %arg8: memref<128x64xf32, #tpu.memory_space<vmem>>, %arg9: memref<128x64xf32, #tpu.memory_space<vmem>>, %arg10: memref<10240x64xf32, #tpu.memory_space<vmem_shared>>, %arg11: memref<!tpu.dma_semaphore, #tpu.memory_space<semaphore_mem>>, %arg12: memref<!tpu.dma_semaphore, #tpu.memory_space<semaphore_mem>>, %arg13: memref<!tpu.dma_semaphore, #tpu.memory_space<semaphore_mem>>, %arg14: memref<!tpu.dma_semaphore, #tpu.memory_space<semaphore_mem>>) attributes {dimension_semantics = [#tpu.dimension_semantics<core_parallel>, #tpu.dimension_semantics<subcore_parallel>], iteration_bounds = array<i64: 2, 16>, scalar_prefetch = 0 : i64, scratch_operands = 9 : i64, tpu.core_type = #tpu.core_type<sc_vector_subcore>, window_params = [{transform_indices = #map}, {transform_indices = #map}, {transform_indices = #map}, {transform_indices = #map}]} {
    %mul3A = arith.constant 640 : i32
    %mul3A_0 = arith.muli %arg1, %mul3A : i32
    "tpu.region"() ({
      %run_scoped3A = tpu.sem_alloc : memref<!tpu.dma_semaphore, #tpu.memory_space<semaphore_mem>>
      %dma_start3A_57 = arith.constant 0 : i32
      %dma_start3A_58 = tpu.memref_slice %arg10[%mul3A_0, %dma_start3A_57] : memref<10240x64xf32, #tpu.memory_space<vmem_shared>> -> memref<640x64xf32, #tpu.memory_space<vmem_shared>>
      tpu.enqueue_dma source(%arg4 : memref<640x64xf32, #tpu.memory_space<hbm>>) target(%dma_start3A_58 : memref<640x64xf32, #tpu.memory_space<vmem_shared>>) target_semaphore(%run_scoped3A : memref<!tpu.dma_semaphore, #tpu.memory_space<semaphore_mem>>)
      %dma_wait3A_59 = arith.constant 0 : i32
      %dma_wait3A_60 = tpu.memref_slice %arg10[%mul3A_0, %dma_wait3A_59] : memref<10240x64xf32, #tpu.memory_space<vmem_shared>> -> memref<640x64xf32, #tpu.memory_space<vmem_shared>>
      tpu.wait_dma2 semaphore(%run_scoped3A : memref<!tpu.dma_semaphore, #tpu.memory_space<semaphore_mem>>) src(%arg4 : memref<640x64xf32, #tpu.memory_space<hbm>>) dst(%dma_wait3A_60 : memref<640x64xf32, #tpu.memory_space<vmem_shared>>)
      tpu.yield
    }) : () -> ()
    %barrier3A = arith.constant 0 : index
    tpu.barrier barrier_id(%barrier3A)
    %mul3A_1 = arith.constant 16 : i32
    %mul3A_2 = arith.muli %arg0, %mul3A_1 : i32
    %add3A = arith.addi %mul3A_2, %arg1 : i32
    %mul3A_3 = arith.constant 10240 : i32
    %mul3A_4 = arith.muli %add3A, %mul3A_3 : i32
    %rem3A = arith.constant 0 : i32
    %rem3A_5 = arith.constant 80 : i32
    %rem3A_6 = arith.remsi %rem3A, %rem3A_5 : i32
    %mul3A_7 = arith.constant 128 : i32
    %mul3A_8 = arith.muli %rem3A_6, %mul3A_7 : i32
    %add3A_9 = arith.addi %mul3A_4, %mul3A_8 : i32
    %dma_start3A = arith.constant 0 : i32
    %dma_start3A_10 = tpu.memref_slice %arg3[%dma_start3A, %add3A_9] : memref<2x327680xi32, #tpu.memory_space<hbm>> -> memref<2x128xi32, #tpu.memory_space<hbm>>
    %dma_start3A_11 = arith.constant 0 : i32
    %dma_start3A_12 = tpu.memref_slice %arg3[%dma_start3A_11, %add3A_9] : memref<2x327680xi32, #tpu.memory_space<hbm>> -> memref<2x128xi32, #tpu.memory_space<hbm>>
    tpu.enqueue_dma source(%dma_start3A_12 : memref<2x128xi32, #tpu.memory_space<hbm>>) target(%arg6 : memref<2x128xi32, #tpu.memory_space<vmem>>) target_semaphore(%arg11 : memref<!tpu.dma_semaphore, #tpu.memory_space<semaphore_mem>>)
    %rem3A_13 = arith.constant 1 : i32
    %rem3A_14 = arith.constant 80 : i32
    %rem3A_15 = arith.remsi %rem3A_13, %rem3A_14 : i32
    %mul3A_16 = arith.constant 128 : i32
    %mul3A_17 = arith.muli %rem3A_15, %mul3A_16 : i32
    %add3A_18 = arith.addi %mul3A_4, %mul3A_17 : i32
    %dma_start3A_19 = arith.constant 0 : i32
    %dma_start3A_20 = tpu.memref_slice %arg3[%dma_start3A_19, %add3A_18] : memref<2x327680xi32, #tpu.memory_space<hbm>> -> memref<2x128xi32, #tpu.memory_space<hbm>>
    %dma_start3A_21 = arith.constant 0 : i32
    %dma_start3A_22 = tpu.memref_slice %arg3[%dma_start3A_21, %add3A_18] : memref<2x327680xi32, #tpu.memory_space<hbm>> -> memref<2x128xi32, #tpu.memory_space<hbm>>
    tpu.enqueue_dma source(%dma_start3A_22 : memref<2x128xi32, #tpu.memory_space<hbm>>) target(%arg7 : memref<2x128xi32, #tpu.memory_space<vmem>>) target_semaphore(%arg12 : memref<!tpu.dma_semaphore, #tpu.memory_space<semaphore_mem>>)
    %dma_wait3A = arith.constant 0 : i32
    %dma_wait3A_23 = tpu.memref_slice %arg3[%dma_wait3A, %mul3A_4] : memref<2x327680xi32, #tpu.memory_space<hbm>> -> memref<2x128xi32, #tpu.memory_space<hbm>>
    %dma_wait3A_24 = arith.constant 0 : i32
    %dma_wait3A_25 = tpu.memref_slice %arg3[%dma_wait3A_24, %mul3A_4] : memref<2x327680xi32, #tpu.memory_space<hbm>> -> memref<2x128xi32, #tpu.memory_space<hbm>>
    tpu.wait_dma2 semaphore(%arg11 : memref<!tpu.dma_semaphore, #tpu.memory_space<semaphore_mem>>) src(%dma_wait3A_25 : memref<2x128xi32, #tpu.memory_space<hbm>>) dst(%arg6 : memref<2x128xi32, #tpu.memory_space<vmem>>)
    %dma_start3A_26 = arith.constant 0 : i32
    %dma_start3A_27 = arith.constant 0 : i32
    %dma_start3A_28 = tpu.memref_slice %arg6[%dma_start3A_26, %dma_start3A_27] : memref<2x128xi32, #tpu.memory_space<vmem>> -> memref<1x128xi32, #tpu.memory_space<vmem>>
    %dma_start3A_29 = tpu.memref_squeeze %dma_start3A_28 : memref<1x128xi32, #tpu.memory_space<vmem>> -> memref<128xi32, #tpu.memory_space<vmem>>
    %dma_start3A_30 = arith.constant 0 : i32
    %dma_start3A_31 = arith.constant 0 : i32
    %dma_start3A_32 = tpu.memref_slice %arg2[%dma_start3A_30, %dma_start3A_31] : memref<10240x64xf32, #tpu.memory_space<hbm>> -> memref<10240x64xf32, #tpu.memory_space<hbm>>
    tpu.enqueue_indirect_dma source(%dma_start3A_32 : memref<10240x64xf32, #tpu.memory_space<hbm>>) target(%arg8 : memref<128x64xf32, #tpu.memory_space<vmem>>) offsets(%dma_start3A_29 : memref<128xi32, #tpu.memory_space<vmem>>) semaphore(%arg13 : memref<!tpu.dma_semaphore, #tpu.memory_space<semaphore_mem>>)
    %scan3A = arith.constant 0 : i32
    %scan3A_33 = arith.constant 0 : i32
    %scan3A_34 = arith.constant 40 : i32
    %scan3A_35 = arith.addi %scan3A_33, %scan3A_34 : i32
    %scan3A_36 = arith.constant 1 : i32
    scf.for %scan3A_57 = %scan3A_33 to %scan3A_35 step %scan3A_36  : i32 {
      %mul3A_58 = arith.constant 2 : i32
      %mul3A_59 = arith.muli %mul3A_58, %scan3A_57 : i32
      %dma_wait3A_60 = arith.constant 0 : i32
      %dma_wait3A_61 = tpu.memref_slice %arg3[%dma_wait3A_60, %mul3A_4] : memref<2x327680xi32, #tpu.memory_space<hbm>> -> memref<2x128xi32, #tpu.memory_space<hbm>>
      %dma_wait3A_62 = arith.constant 0 : i32
      %dma_wait3A_63 = tpu.memref_slice %arg3[%dma_wait3A_62, %mul3A_4] : memref<2x327680xi32, #tpu.memory_space<hbm>> -> memref<2x128xi32, #tpu.memory_space<hbm>>
      tpu.wait_dma2 semaphore(%arg12 : memref<!tpu.dma_semaphore, #tpu.memory_space<semaphore_mem>>) src(%dma_wait3A_63 : memref<2x128xi32, #tpu.memory_space<hbm>>) dst(%arg7 : memref<2x128xi32, #tpu.memory_space<vmem>>)
      %dma_wait3A_64 = arith.constant 0 : i32
      %dma_wait3A_65 = arith.constant 0 : i32
      %dma_wait3A_66 = tpu.memref_slice %arg6[%dma_wait3A_64, %dma_wait3A_65] : memref<2x128xi32, #tpu.memory_space<vmem>> -> memref<1x128xi32, #tpu.memory_space<vmem>>
      %dma_wait3A_67 = tpu.memref_squeeze %dma_wait3A_66 : memref<1x128xi32, #tpu.memory_space<vmem>> -> memref<128xi32, #tpu.memory_space<vmem>>
      %dma_wait3A_68 = arith.constant 0 : i32
      %dma_wait3A_69 = arith.constant 0 : i32
      %dma_wait3A_70 = tpu.memref_slice %arg2[%dma_wait3A_68, %dma_wait3A_69] : memref<10240x64xf32, #tpu.memory_space<hbm>> -> memref<10240x64xf32, #tpu.memory_space<hbm>>
      tpu.wait_indirect_dma semaphore(%arg13 : memref<!tpu.dma_semaphore, #tpu.memory_space<semaphore_mem>>) src(%dma_wait3A_70 : memref<10240x64xf32, #tpu.memory_space<hbm>>) dst(%arg8 : memref<128x64xf32, #tpu.memory_space<vmem>>)
      %dma_start3A_71 = arith.constant 0 : i32
      %dma_start3A_72 = arith.constant 0 : i32
      %dma_start3A_73 = tpu.memref_slice %arg7[%dma_start3A_71, %dma_start3A_72] : memref<2x128xi32, #tpu.memory_space<vmem>> -> memref<1x128xi32, #tpu.memory_space<vmem>>
      %dma_start3A_74 = tpu.memref_squeeze %dma_start3A_73 : memref<1x128xi32, #tpu.memory_space<vmem>> -> memref<128xi32, #tpu.memory_space<vmem>>
      %dma_start3A_75 = arith.constant 0 : i32
      %dma_start3A_76 = arith.constant 0 : i32
      %dma_start3A_77 = tpu.memref_slice %arg2[%dma_start3A_75, %dma_start3A_76] : memref<10240x64xf32, #tpu.memory_space<hbm>> -> memref<10240x64xf32, #tpu.memory_space<hbm>>
      tpu.enqueue_indirect_dma source(%dma_start3A_77 : memref<10240x64xf32, #tpu.memory_space<hbm>>) target(%arg9 : memref<128x64xf32, #tpu.memory_space<vmem>>) offsets(%dma_start3A_74 : memref<128xi32, #tpu.memory_space<vmem>>) semaphore(%arg14 : memref<!tpu.dma_semaphore, #tpu.memory_space<semaphore_mem>>)
      %run_scoped3A = arith.constant 1 : i32
      "tpu.region"() ({
        %run_scoped3A_119 = tpu.sem_alloc : memref<!tpu.dma_semaphore, #tpu.memory_space<semaphore_mem>>
        %dma_start3A_120 = arith.constant 0 : i32
        %dma_start3A_121 = tpu.memref_slice %arg6[%run_scoped3A, %dma_start3A_120] : memref<2x128xi32, #tpu.memory_space<vmem>> -> memref<1x128xi32, #tpu.memory_space<vmem>>
        %dma_start3A_122 = tpu.memref_squeeze %dma_start3A_121 : memref<1x128xi32, #tpu.memory_space<vmem>> -> memref<128xi32, #tpu.memory_space<vmem>>
        %dma_start3A_123 = arith.constant 0 : i32
        %dma_start3A_124 = arith.constant 0 : i32
        %dma_start3A_125 = tpu.memref_slice %arg10[%dma_start3A_123, %dma_start3A_124] : memref<10240x64xf32, #tpu.memory_space<vmem_shared>> -> memref<10240x64xf32, #tpu.memory_space<vmem_shared>>
        tpu.enqueue_indirect_dma source(%arg8 : memref<128x64xf32, #tpu.memory_space<vmem>>) target(%dma_start3A_125 : memref<10240x64xf32, #tpu.memory_space<vmem_shared>>) offsets(%dma_start3A_122 : memref<128xi32, #tpu.memory_space<vmem>>) semaphore(%run_scoped3A_119 : memref<!tpu.dma_semaphore, #tpu.memory_space<semaphore_mem>>) {add = true}
        %dma_wait3A_126 = arith.constant 0 : i32
        %dma_wait3A_127 = tpu.memref_slice %arg6[%run_scoped3A, %dma_wait3A_126] : memref<2x128xi32, #tpu.memory_space<vmem>> -> memref<1x128xi32, #tpu.memory_space<vmem>>
        %dma_wait3A_128 = tpu.memref_squeeze %dma_wait3A_127 : memref<1x128xi32, #tpu.memory_space<vmem>> -> memref<128xi32, #tpu.memory_space<vmem>>
        %dma_wait3A_129 = arith.constant 0 : i32
        %dma_wait3A_130 = arith.constant 0 : i32
        %dma_wait3A_131 = tpu.memref_slice %arg10[%dma_wait3A_129, %dma_wait3A_130] : memref<10240x64xf32, #tpu.memory_space<vmem_shared>> -> memref<10240x64xf32, #tpu.memory_space<vmem_shared>>
        tpu.wait_indirect_dma semaphore(%run_scoped3A_119 : memref<!tpu.dma_semaphore, #tpu.memory_space<semaphore_mem>>) src(%arg8 : memref<128x64xf32, #tpu.memory_space<vmem>>) dst(%dma_wait3A_131 : memref<10240x64xf32, #tpu.memory_space<vmem_shared>>)
        tpu.yield
      }) : () -> ()
      %add3A_78 = arith.constant 2 : i32
      %add3A_79 = arith.addi %mul3A_59, %add3A_78 : i32
      %rem3A_80 = arith.constant 80 : i32
      %rem3A_81 = arith.remsi %add3A_79, %rem3A_80 : i32
      %mul3A_82 = arith.constant 128 : i32
      %mul3A_83 = arith.muli %rem3A_81, %mul3A_82 : i32
      %add3A_84 = arith.addi %mul3A_4, %mul3A_83 : i32
      %dma_start3A_85 = arith.constant 0 : i32
      %dma_start3A_86 = tpu.memref_slice %arg3[%dma_start3A_85, %add3A_84] : memref<2x327680xi32, #tpu.memory_space<hbm>> -> memref<2x128xi32, #tpu.memory_space<hbm>>
      %dma_start3A_87 = arith.constant 0 : i32
      %dma_start3A_88 = tpu.memref_slice %arg3[%dma_start3A_87, %add3A_84] : memref<2x327680xi32, #tpu.memory_space<hbm>> -> memref<2x128xi32, #tpu.memory_space<hbm>>
      tpu.enqueue_dma source(%dma_start3A_88 : memref<2x128xi32, #tpu.memory_space<hbm>>) target(%arg6 : memref<2x128xi32, #tpu.memory_space<vmem>>) target_semaphore(%arg11 : memref<!tpu.dma_semaphore, #tpu.memory_space<semaphore_mem>>)
      %dma_wait3A_89 = arith.constant 0 : i32
      %dma_wait3A_90 = tpu.memref_slice %arg3[%dma_wait3A_89, %mul3A_4] : memref<2x327680xi32, #tpu.memory_space<hbm>> -> memref<2x128xi32, #tpu.memory_space<hbm>>
      %dma_wait3A_91 = arith.constant 0 : i32
      %dma_wait3A_92 = tpu.memref_slice %arg3[%dma_wait3A_91, %mul3A_4] : memref<2x327680xi32, #tpu.memory_space<hbm>> -> memref<2x128xi32, #tpu.memory_space<hbm>>
      tpu.wait_dma2 semaphore(%arg11 : memref<!tpu.dma_semaphore, #tpu.memory_space<semaphore_mem>>) src(%dma_wait3A_92 : memref<2x128xi32, #tpu.memory_space<hbm>>) dst(%arg6 : memref<2x128xi32, #tpu.memory_space<vmem>>)
      %dma_wait3A_93 = arith.constant 0 : i32
      %dma_wait3A_94 = arith.constant 0 : i32
      %dma_wait3A_95 = tpu.memref_slice %arg7[%dma_wait3A_93, %dma_wait3A_94] : memref<2x128xi32, #tpu.memory_space<vmem>> -> memref<1x128xi32, #tpu.memory_space<vmem>>
      %dma_wait3A_96 = tpu.memref_squeeze %dma_wait3A_95 : memref<1x128xi32, #tpu.memory_space<vmem>> -> memref<128xi32, #tpu.memory_space<vmem>>
      %dma_wait3A_97 = arith.constant 0 : i32
      %dma_wait3A_98 = arith.constant 0 : i32
      %dma_wait3A_99 = tpu.memref_slice %arg2[%dma_wait3A_97, %dma_wait3A_98] : memref<10240x64xf32, #tpu.memory_space<hbm>> -> memref<10240x64xf32, #tpu.memory_space<hbm>>
      tpu.wait_indirect_dma semaphore(%arg14 : memref<!tpu.dma_semaphore, #tpu.memory_space<semaphore_mem>>) src(%dma_wait3A_99 : memref<10240x64xf32, #tpu.memory_space<hbm>>) dst(%arg9 : memref<128x64xf32, #tpu.memory_space<vmem>>)
      %dma_start3A_100 = arith.constant 0 : i32
      %dma_start3A_101 = arith.constant 0 : i32
      %dma_start3A_102 = tpu.memref_slice %arg6[%dma_start3A_100, %dma_start3A_101] : memref<2x128xi32, #tpu.memory_space<vmem>> -> memref<1x128xi32, #tpu.memory_space<vmem>>
      %dma_start3A_103 = tpu.memref_squeeze %dma_start3A_102 : memref<1x128xi32, #tpu.memory_space<vmem>> -> memref<128xi32, #tpu.memory_space<vmem>>
      %dma_start3A_104 = arith.constant 0 : i32
      %dma_start3A_105 = arith.constant 0 : i32
      %dma_start3A_106 = tpu.memref_slice %arg2[%dma_start3A_104, %dma_start3A_105] : memref<10240x64xf32, #tpu.memory_space<hbm>> -> memref<10240x64xf32, #tpu.memory_space<hbm>>
      tpu.enqueue_indirect_dma source(%dma_start3A_106 : memref<10240x64xf32, #tpu.memory_space<hbm>>) target(%arg8 : memref<128x64xf32, #tpu.memory_space<vmem>>) offsets(%dma_start3A_103 : memref<128xi32, #tpu.memory_space<vmem>>) semaphore(%arg13 : memref<!tpu.dma_semaphore, #tpu.memory_space<semaphore_mem>>)
      %run_scoped3A_107 = arith.constant 1 : i32
      "tpu.region"() ({
        %run_scoped3A_119 = tpu.sem_alloc : memref<!tpu.dma_semaphore, #tpu.memory_space<semaphore_mem>>
        %dma_start3A_120 = arith.constant 0 : i32
        %dma_start3A_121 = tpu.memref_slice %arg7[%run_scoped3A_107, %dma_start3A_120] : memref<2x128xi32, #tpu.memory_space<vmem>> -> memref<1x128xi32, #tpu.memory_space<vmem>>
        %dma_start3A_122 = tpu.memref_squeeze %dma_start3A_121 : memref<1x128xi32, #tpu.memory_space<vmem>> -> memref<128xi32, #tpu.memory_space<vmem>>
        %dma_start3A_123 = arith.constant 0 : i32
        %dma_start3A_124 = arith.constant 0 : i32
        %dma_start3A_125 = tpu.memref_slice %arg10[%dma_start3A_123, %dma_start3A_124] : memref<10240x64xf32, #tpu.memory_space<vmem_shared>> -> memref<10240x64xf32, #tpu.memory_space<vmem_shared>>
        tpu.enqueue_indirect_dma source(%arg9 : memref<128x64xf32, #tpu.memory_space<vmem>>) target(%dma_start3A_125 : memref<10240x64xf32, #tpu.memory_space<vmem_shared>>) offsets(%dma_start3A_122 : memref<128xi32, #tpu.memory_space<vmem>>) semaphore(%run_scoped3A_119 : memref<!tpu.dma_semaphore, #tpu.memory_space<semaphore_mem>>) {add = true}
        %dma_wait3A_126 = arith.constant 0 : i32
        %dma_wait3A_127 = tpu.memref_slice %arg7[%run_scoped3A_107, %dma_wait3A_126] : memref<2x128xi32, #tpu.memory_space<vmem>> -> memref<1x128xi32, #tpu.memory_space<vmem>>
        %dma_wait3A_128 = tpu.memref_squeeze %dma_wait3A_127 : memref<1x128xi32, #tpu.memory_space<vmem>> -> memref<128xi32, #tpu.memory_space<vmem>>
        %dma_wait3A_129 = arith.constant 0 : i32
        %dma_wait3A_130 = arith.constant 0 : i32
        %dma_wait3A_131 = tpu.memref_slice %arg10[%dma_wait3A_129, %dma_wait3A_130] : memref<10240x64xf32, #tpu.memory_space<vmem_shared>> -> memref<10240x64xf32, #tpu.memory_space<vmem_shared>>
        tpu.wait_indirect_dma semaphore(%run_scoped3A_119 : memref<!tpu.dma_semaphore, #tpu.memory_space<semaphore_mem>>) src(%arg9 : memref<128x64xf32, #tpu.memory_space<vmem>>) dst(%dma_wait3A_131 : memref<10240x64xf32, #tpu.memory_space<vmem_shared>>)
        tpu.yield
      }) : () -> ()
      %add3A_108 = arith.constant 3 : i32
      %add3A_109 = arith.addi %mul3A_59, %add3A_108 : i32
      %rem3A_110 = arith.constant 80 : i32
      %rem3A_111 = arith.remsi %add3A_109, %rem3A_110 : i32
      %mul3A_112 = arith.constant 128 : i32
      %mul3A_113 = arith.muli %rem3A_111, %mul3A_112 : i32
      %add3A_114 = arith.addi %mul3A_4, %mul3A_113 : i32
      %dma_start3A_115 = arith.constant 0 : i32
      %dma_start3A_116 = tpu.memref_slice %arg3[%dma_start3A_115, %add3A_114] : memref<2x327680xi32, #tpu.memory_space<hbm>> -> memref<2x128xi32, #tpu.memory_space<hbm>>
      %dma_start3A_117 = arith.constant 0 : i32
      %dma_start3A_118 = tpu.memref_slice %arg3[%dma_start3A_117, %add3A_114] : memref<2x327680xi32, #tpu.memory_space<hbm>> -> memref<2x128xi32, #tpu.memory_space<hbm>>
      tpu.enqueue_dma source(%dma_start3A_118 : memref<2x128xi32, #tpu.memory_space<hbm>>) target(%arg7 : memref<2x128xi32, #tpu.memory_space<vmem>>) target_semaphore(%arg12 : memref<!tpu.dma_semaphore, #tpu.memory_space<semaphore_mem>>)
    }
    %scan3A_37 = arith.constant 40 : i32
    %dma_wait3A_38 = arith.constant 0 : i32
    %dma_wait3A_39 = tpu.memref_slice %arg3[%dma_wait3A_38, %mul3A_4] : memref<2x327680xi32, #tpu.memory_space<hbm>> -> memref<2x128xi32, #tpu.memory_space<hbm>>
    %dma_wait3A_40 = arith.constant 0 : i32
    %dma_wait3A_41 = tpu.memref_slice %arg3[%dma_wait3A_40, %mul3A_4] : memref<2x327680xi32, #tpu.memory_space<hbm>> -> memref<2x128xi32, #tpu.memory_space<hbm>>
    tpu.wait_dma2 semaphore(%arg12 : memref<!tpu.dma_semaphore, #tpu.memory_space<semaphore_mem>>) src(%dma_wait3A_41 : memref<2x128xi32, #tpu.memory_space<hbm>>) dst(%arg7 : memref<2x128xi32, #tpu.memory_space<vmem>>)
    %dma_wait3A_42 = arith.constant 0 : i32
    %dma_wait3A_43 = arith.constant 0 : i32
    %dma_wait3A_44 = tpu.memref_slice %arg6[%dma_wait3A_42, %dma_wait3A_43] : memref<2x128xi32, #tpu.memory_space<vmem>> -> memref<1x128xi32, #tpu.memory_space<vmem>>
    %dma_wait3A_45 = tpu.memref_squeeze %dma_wait3A_44 : memref<1x128xi32, #tpu.memory_space<vmem>> -> memref<128xi32, #tpu.memory_space<vmem>>
    %dma_wait3A_46 = arith.constant 0 : i32
    %dma_wait3A_47 = arith.constant 0 : i32
    %dma_wait3A_48 = tpu.memref_slice %arg2[%dma_wait3A_46, %dma_wait3A_47] : memref<10240x64xf32, #tpu.memory_space<hbm>> -> memref<10240x64xf32, #tpu.memory_space<hbm>>
    tpu.wait_indirect_dma semaphore(%arg13 : memref<!tpu.dma_semaphore, #tpu.memory_space<semaphore_mem>>) src(%dma_wait3A_48 : memref<10240x64xf32, #tpu.memory_space<hbm>>) dst(%arg8 : memref<128x64xf32, #tpu.memory_space<vmem>>)
    %barrier3A_49 = arith.constant 0 : index
    tpu.barrier barrier_id(%barrier3A_49)
    %mul3A_50 = arith.constant 640 : i32
    %mul3A_51 = arith.muli %arg1, %mul3A_50 : i32
    %mul3A_52 = arith.constant 10240 : i32
    %mul3A_53 = arith.muli %arg0, %mul3A_52 : i32
    %mul3A_54 = arith.constant 640 : i32
    %mul3A_55 = arith.muli %arg1, %mul3A_54 : i32
    %add3A_56 = arith.addi %mul3A_53, %mul3A_55 : i32
    "tpu.region"() ({
      %run_scoped3A = tpu.sem_alloc : memref<!tpu.dma_semaphore, #tpu.memory_space<semaphore_mem>>
      %dma_start3A_57 = arith.constant 0 : i32
      %dma_start3A_58 = tpu.memref_slice %arg5[%add3A_56, %dma_start3A_57] : memref<20480x64xf32, #tpu.memory_space<hbm>> -> memref<640x64xf32, #tpu.memory_space<hbm>>
      %dma_start3A_59 = arith.constant 0 : i32
      %dma_start3A_60 = tpu.memref_slice %arg10[%mul3A_51, %dma_start3A_59] : memref<10240x64xf32, #tpu.memory_space<vmem_shared>> -> memref<640x64xf32, #tpu.memory_space<vmem_shared>>
      tpu.enqueue_dma source(%dma_start3A_60 : memref<640x64xf32, #tpu.memory_space<vmem_shared>>) target(%dma_start3A_58 : memref<640x64xf32, #tpu.memory_space<hbm>>) target_semaphore(%run_scoped3A : memref<!tpu.dma_semaphore, #tpu.memory_space<semaphore_mem>>)
      %dma_wait3A_61 = arith.constant 0 : i32
      %dma_wait3A_62 = tpu.memref_slice %arg5[%add3A_56, %dma_wait3A_61] : memref<20480x64xf32, #tpu.memory_space<hbm>> -> memref<640x64xf32, #tpu.memory_space<hbm>>
      %dma_wait3A_63 = arith.constant 0 : i32
      %dma_wait3A_64 = tpu.memref_slice %arg10[%mul3A_51, %dma_wait3A_63] : memref<10240x64xf32, #tpu.memory_space<vmem_shared>> -> memref<640x64xf32, #tpu.memory_space<vmem_shared>>
      tpu.wait_dma2 semaphore(%run_scoped3A : memref<!tpu.dma_semaphore, #tpu.memory_space<semaphore_mem>>) src(%dma_wait3A_64 : memref<640x64xf32, #tpu.memory_space<vmem_shared>>) dst(%dma_wait3A_62 : memref<640x64xf32, #tpu.memory_space<hbm>>)
      tpu.yield
    }) : () -> ()
    return
  }
}

#map = affine_map<(d0, d1) -> (0, 0)>
module attributes {stable_mosaic.version = 14 : i64} {
  func.func @segsum(%arg0: i32, %arg1: i32, %arg2: memref<10240x128xf32, #tpu.memory_space<hbm>>, %arg3: memref<2x327680xi32, #tpu.memory_space<hbm>>, %arg4: memref<640x128xf32, #tpu.memory_space<hbm>>, %arg5: memref<20480x128xf32, #tpu.memory_space<hbm>>, %arg6: memref<2x128xi32, #tpu.memory_space<vmem>>, %arg7: memref<2x128xi32, #tpu.memory_space<vmem>>, %arg8: memref<128x128xf32, #tpu.memory_space<vmem>>, %arg9: memref<128x128xf32, #tpu.memory_space<vmem>>, %arg10: memref<10240x128xf32, #tpu.memory_space<vmem_shared>>, %arg11: memref<!tpu.dma_semaphore, #tpu.memory_space<semaphore_mem>>, %arg12: memref<!tpu.dma_semaphore, #tpu.memory_space<semaphore_mem>>, %arg13: memref<!tpu.dma_semaphore, #tpu.memory_space<semaphore_mem>>, %arg14: memref<!tpu.dma_semaphore, #tpu.memory_space<semaphore_mem>>) attributes {dimension_semantics = [#tpu.dimension_semantics<core_parallel>, #tpu.dimension_semantics<subcore_parallel>], iteration_bounds = array<i64: 2, 16>, scalar_prefetch = 0 : i64, scratch_operands = 9 : i64, tpu.core_type = #tpu.core_type<sc_vector_subcore>, window_params = [{transform_indices = #map}, {transform_indices = #map}, {transform_indices = #map}, {transform_indices = #map}]} {
    %mul3A = arith.constant 640 : i32
    %mul3A_0 = arith.muli %arg1, %mul3A : i32
    "tpu.region"() ({
      %run_scoped3A = tpu.sem_alloc : memref<!tpu.dma_semaphore, #tpu.memory_space<semaphore_mem>>
      %dma_start3A_57 = arith.constant 0 : i32
      %dma_start3A_58 = tpu.memref_slice %arg10[%mul3A_0, %dma_start3A_57] : memref<10240x128xf32, #tpu.memory_space<vmem_shared>> -> memref<640x128xf32, #tpu.memory_space<vmem_shared>>
      tpu.enqueue_dma source(%arg4 : memref<640x128xf32, #tpu.memory_space<hbm>>) target(%dma_start3A_58 : memref<640x128xf32, #tpu.memory_space<vmem_shared>>) target_semaphore(%run_scoped3A : memref<!tpu.dma_semaphore, #tpu.memory_space<semaphore_mem>>)
      %dma_wait3A_59 = arith.constant 0 : i32
      %dma_wait3A_60 = tpu.memref_slice %arg10[%mul3A_0, %dma_wait3A_59] : memref<10240x128xf32, #tpu.memory_space<vmem_shared>> -> memref<640x128xf32, #tpu.memory_space<vmem_shared>>
      tpu.wait_dma2 semaphore(%run_scoped3A : memref<!tpu.dma_semaphore, #tpu.memory_space<semaphore_mem>>) src(%arg4 : memref<640x128xf32, #tpu.memory_space<hbm>>) dst(%dma_wait3A_60 : memref<640x128xf32, #tpu.memory_space<vmem_shared>>)
      tpu.yield
    }) : () -> ()
    %barrier3A = arith.constant 0 : index
    tpu.barrier barrier_id(%barrier3A)
    %mul3A_1 = arith.constant 16 : i32
    %mul3A_2 = arith.muli %arg0, %mul3A_1 : i32
    %add3A = arith.addi %mul3A_2, %arg1 : i32
    %mul3A_3 = arith.constant 10240 : i32
    %mul3A_4 = arith.muli %add3A, %mul3A_3 : i32
    %rem3A = arith.constant 0 : i32
    %rem3A_5 = arith.constant 80 : i32
    %rem3A_6 = arith.remsi %rem3A, %rem3A_5 : i32
    %mul3A_7 = arith.constant 128 : i32
    %mul3A_8 = arith.muli %rem3A_6, %mul3A_7 : i32
    %add3A_9 = arith.addi %mul3A_4, %mul3A_8 : i32
    %dma_start3A = arith.constant 0 : i32
    %dma_start3A_10 = tpu.memref_slice %arg3[%dma_start3A, %add3A_9] : memref<2x327680xi32, #tpu.memory_space<hbm>> -> memref<2x128xi32, #tpu.memory_space<hbm>>
    %dma_start3A_11 = arith.constant 0 : i32
    %dma_start3A_12 = tpu.memref_slice %arg3[%dma_start3A_11, %add3A_9] : memref<2x327680xi32, #tpu.memory_space<hbm>> -> memref<2x128xi32, #tpu.memory_space<hbm>>
    tpu.enqueue_dma source(%dma_start3A_12 : memref<2x128xi32, #tpu.memory_space<hbm>>) target(%arg6 : memref<2x128xi32, #tpu.memory_space<vmem>>) target_semaphore(%arg11 : memref<!tpu.dma_semaphore, #tpu.memory_space<semaphore_mem>>)
    %rem3A_13 = arith.constant 1 : i32
    %rem3A_14 = arith.constant 80 : i32
    %rem3A_15 = arith.remsi %rem3A_13, %rem3A_14 : i32
    %mul3A_16 = arith.constant 128 : i32
    %mul3A_17 = arith.muli %rem3A_15, %mul3A_16 : i32
    %add3A_18 = arith.addi %mul3A_4, %mul3A_17 : i32
    %dma_start3A_19 = arith.constant 0 : i32
    %dma_start3A_20 = tpu.memref_slice %arg3[%dma_start3A_19, %add3A_18] : memref<2x327680xi32, #tpu.memory_space<hbm>> -> memref<2x128xi32, #tpu.memory_space<hbm>>
    %dma_start3A_21 = arith.constant 0 : i32
    %dma_start3A_22 = tpu.memref_slice %arg3[%dma_start3A_21, %add3A_18] : memref<2x327680xi32, #tpu.memory_space<hbm>> -> memref<2x128xi32, #tpu.memory_space<hbm>>
    tpu.enqueue_dma source(%dma_start3A_22 : memref<2x128xi32, #tpu.memory_space<hbm>>) target(%arg7 : memref<2x128xi32, #tpu.memory_space<vmem>>) target_semaphore(%arg12 : memref<!tpu.dma_semaphore, #tpu.memory_space<semaphore_mem>>)
    %dma_wait3A = arith.constant 0 : i32
    %dma_wait3A_23 = tpu.memref_slice %arg3[%dma_wait3A, %mul3A_4] : memref<2x327680xi32, #tpu.memory_space<hbm>> -> memref<2x128xi32, #tpu.memory_space<hbm>>
    %dma_wait3A_24 = arith.constant 0 : i32
    %dma_wait3A_25 = tpu.memref_slice %arg3[%dma_wait3A_24, %mul3A_4] : memref<2x327680xi32, #tpu.memory_space<hbm>> -> memref<2x128xi32, #tpu.memory_space<hbm>>
    tpu.wait_dma2 semaphore(%arg11 : memref<!tpu.dma_semaphore, #tpu.memory_space<semaphore_mem>>) src(%dma_wait3A_25 : memref<2x128xi32, #tpu.memory_space<hbm>>) dst(%arg6 : memref<2x128xi32, #tpu.memory_space<vmem>>)
    %dma_start3A_26 = arith.constant 0 : i32
    %dma_start3A_27 = arith.constant 0 : i32
    %dma_start3A_28 = tpu.memref_slice %arg6[%dma_start3A_26, %dma_start3A_27] : memref<2x128xi32, #tpu.memory_space<vmem>> -> memref<1x128xi32, #tpu.memory_space<vmem>>
    %dma_start3A_29 = tpu.memref_squeeze %dma_start3A_28 : memref<1x128xi32, #tpu.memory_space<vmem>> -> memref<128xi32, #tpu.memory_space<vmem>>
    %dma_start3A_30 = arith.constant 0 : i32
    %dma_start3A_31 = arith.constant 0 : i32
    %dma_start3A_32 = tpu.memref_slice %arg2[%dma_start3A_30, %dma_start3A_31] : memref<10240x128xf32, #tpu.memory_space<hbm>> -> memref<10240x128xf32, #tpu.memory_space<hbm>>
    tpu.enqueue_indirect_dma source(%dma_start3A_32 : memref<10240x128xf32, #tpu.memory_space<hbm>>) target(%arg8 : memref<128x128xf32, #tpu.memory_space<vmem>>) offsets(%dma_start3A_29 : memref<128xi32, #tpu.memory_space<vmem>>) semaphore(%arg13 : memref<!tpu.dma_semaphore, #tpu.memory_space<semaphore_mem>>)
    %scan3A = arith.constant 0 : i32
    %scan3A_33 = arith.constant 0 : i32
    %scan3A_34 = arith.constant 40 : i32
    %scan3A_35 = arith.addi %scan3A_33, %scan3A_34 : i32
    %scan3A_36 = arith.constant 1 : i32
    scf.for %scan3A_57 = %scan3A_33 to %scan3A_35 step %scan3A_36  : i32 {
      %mul3A_58 = arith.constant 2 : i32
      %mul3A_59 = arith.muli %mul3A_58, %scan3A_57 : i32
      %dma_wait3A_60 = arith.constant 0 : i32
      %dma_wait3A_61 = tpu.memref_slice %arg3[%dma_wait3A_60, %mul3A_4] : memref<2x327680xi32, #tpu.memory_space<hbm>> -> memref<2x128xi32, #tpu.memory_space<hbm>>
      %dma_wait3A_62 = arith.constant 0 : i32
      %dma_wait3A_63 = tpu.memref_slice %arg3[%dma_wait3A_62, %mul3A_4] : memref<2x327680xi32, #tpu.memory_space<hbm>> -> memref<2x128xi32, #tpu.memory_space<hbm>>
      tpu.wait_dma2 semaphore(%arg12 : memref<!tpu.dma_semaphore, #tpu.memory_space<semaphore_mem>>) src(%dma_wait3A_63 : memref<2x128xi32, #tpu.memory_space<hbm>>) dst(%arg7 : memref<2x128xi32, #tpu.memory_space<vmem>>)
      %dma_wait3A_64 = arith.constant 0 : i32
      %dma_wait3A_65 = arith.constant 0 : i32
      %dma_wait3A_66 = tpu.memref_slice %arg6[%dma_wait3A_64, %dma_wait3A_65] : memref<2x128xi32, #tpu.memory_space<vmem>> -> memref<1x128xi32, #tpu.memory_space<vmem>>
      %dma_wait3A_67 = tpu.memref_squeeze %dma_wait3A_66 : memref<1x128xi32, #tpu.memory_space<vmem>> -> memref<128xi32, #tpu.memory_space<vmem>>
      %dma_wait3A_68 = arith.constant 0 : i32
      %dma_wait3A_69 = arith.constant 0 : i32
      %dma_wait3A_70 = tpu.memref_slice %arg2[%dma_wait3A_68, %dma_wait3A_69] : memref<10240x128xf32, #tpu.memory_space<hbm>> -> memref<10240x128xf32, #tpu.memory_space<hbm>>
      tpu.wait_indirect_dma semaphore(%arg13 : memref<!tpu.dma_semaphore, #tpu.memory_space<semaphore_mem>>) src(%dma_wait3A_70 : memref<10240x128xf32, #tpu.memory_space<hbm>>) dst(%arg8 : memref<128x128xf32, #tpu.memory_space<vmem>>)
      %dma_start3A_71 = arith.constant 0 : i32
      %dma_start3A_72 = arith.constant 0 : i32
      %dma_start3A_73 = tpu.memref_slice %arg7[%dma_start3A_71, %dma_start3A_72] : memref<2x128xi32, #tpu.memory_space<vmem>> -> memref<1x128xi32, #tpu.memory_space<vmem>>
      %dma_start3A_74 = tpu.memref_squeeze %dma_start3A_73 : memref<1x128xi32, #tpu.memory_space<vmem>> -> memref<128xi32, #tpu.memory_space<vmem>>
      %dma_start3A_75 = arith.constant 0 : i32
      %dma_start3A_76 = arith.constant 0 : i32
      %dma_start3A_77 = tpu.memref_slice %arg2[%dma_start3A_75, %dma_start3A_76] : memref<10240x128xf32, #tpu.memory_space<hbm>> -> memref<10240x128xf32, #tpu.memory_space<hbm>>
      tpu.enqueue_indirect_dma source(%dma_start3A_77 : memref<10240x128xf32, #tpu.memory_space<hbm>>) target(%arg9 : memref<128x128xf32, #tpu.memory_space<vmem>>) offsets(%dma_start3A_74 : memref<128xi32, #tpu.memory_space<vmem>>) semaphore(%arg14 : memref<!tpu.dma_semaphore, #tpu.memory_space<semaphore_mem>>)
      %run_scoped3A = arith.constant 1 : i32
      "tpu.region"() ({
        %run_scoped3A_119 = tpu.sem_alloc : memref<!tpu.dma_semaphore, #tpu.memory_space<semaphore_mem>>
        %dma_start3A_120 = arith.constant 0 : i32
        %dma_start3A_121 = tpu.memref_slice %arg6[%run_scoped3A, %dma_start3A_120] : memref<2x128xi32, #tpu.memory_space<vmem>> -> memref<1x128xi32, #tpu.memory_space<vmem>>
        %dma_start3A_122 = tpu.memref_squeeze %dma_start3A_121 : memref<1x128xi32, #tpu.memory_space<vmem>> -> memref<128xi32, #tpu.memory_space<vmem>>
        %dma_start3A_123 = arith.constant 0 : i32
        %dma_start3A_124 = arith.constant 0 : i32
        %dma_start3A_125 = tpu.memref_slice %arg10[%dma_start3A_123, %dma_start3A_124] : memref<10240x128xf32, #tpu.memory_space<vmem_shared>> -> memref<10240x128xf32, #tpu.memory_space<vmem_shared>>
        tpu.enqueue_indirect_dma source(%arg8 : memref<128x128xf32, #tpu.memory_space<vmem>>) target(%dma_start3A_125 : memref<10240x128xf32, #tpu.memory_space<vmem_shared>>) offsets(%dma_start3A_122 : memref<128xi32, #tpu.memory_space<vmem>>) semaphore(%run_scoped3A_119 : memref<!tpu.dma_semaphore, #tpu.memory_space<semaphore_mem>>) {add = true}
        %dma_wait3A_126 = arith.constant 0 : i32
        %dma_wait3A_127 = tpu.memref_slice %arg6[%run_scoped3A, %dma_wait3A_126] : memref<2x128xi32, #tpu.memory_space<vmem>> -> memref<1x128xi32, #tpu.memory_space<vmem>>
        %dma_wait3A_128 = tpu.memref_squeeze %dma_wait3A_127 : memref<1x128xi32, #tpu.memory_space<vmem>> -> memref<128xi32, #tpu.memory_space<vmem>>
        %dma_wait3A_129 = arith.constant 0 : i32
        %dma_wait3A_130 = arith.constant 0 : i32
        %dma_wait3A_131 = tpu.memref_slice %arg10[%dma_wait3A_129, %dma_wait3A_130] : memref<10240x128xf32, #tpu.memory_space<vmem_shared>> -> memref<10240x128xf32, #tpu.memory_space<vmem_shared>>
        tpu.wait_indirect_dma semaphore(%run_scoped3A_119 : memref<!tpu.dma_semaphore, #tpu.memory_space<semaphore_mem>>) src(%arg8 : memref<128x128xf32, #tpu.memory_space<vmem>>) dst(%dma_wait3A_131 : memref<10240x128xf32, #tpu.memory_space<vmem_shared>>)
        tpu.yield
      }) : () -> ()
      %add3A_78 = arith.constant 2 : i32
      %add3A_79 = arith.addi %mul3A_59, %add3A_78 : i32
      %rem3A_80 = arith.constant 80 : i32
      %rem3A_81 = arith.remsi %add3A_79, %rem3A_80 : i32
      %mul3A_82 = arith.constant 128 : i32
      %mul3A_83 = arith.muli %rem3A_81, %mul3A_82 : i32
      %add3A_84 = arith.addi %mul3A_4, %mul3A_83 : i32
      %dma_start3A_85 = arith.constant 0 : i32
      %dma_start3A_86 = tpu.memref_slice %arg3[%dma_start3A_85, %add3A_84] : memref<2x327680xi32, #tpu.memory_space<hbm>> -> memref<2x128xi32, #tpu.memory_space<hbm>>
      %dma_start3A_87 = arith.constant 0 : i32
      %dma_start3A_88 = tpu.memref_slice %arg3[%dma_start3A_87, %add3A_84] : memref<2x327680xi32, #tpu.memory_space<hbm>> -> memref<2x128xi32, #tpu.memory_space<hbm>>
      tpu.enqueue_dma source(%dma_start3A_88 : memref<2x128xi32, #tpu.memory_space<hbm>>) target(%arg6 : memref<2x128xi32, #tpu.memory_space<vmem>>) target_semaphore(%arg11 : memref<!tpu.dma_semaphore, #tpu.memory_space<semaphore_mem>>)
      %dma_wait3A_89 = arith.constant 0 : i32
      %dma_wait3A_90 = tpu.memref_slice %arg3[%dma_wait3A_89, %mul3A_4] : memref<2x327680xi32, #tpu.memory_space<hbm>> -> memref<2x128xi32, #tpu.memory_space<hbm>>
      %dma_wait3A_91 = arith.constant 0 : i32
      %dma_wait3A_92 = tpu.memref_slice %arg3[%dma_wait3A_91, %mul3A_4] : memref<2x327680xi32, #tpu.memory_space<hbm>> -> memref<2x128xi32, #tpu.memory_space<hbm>>
      tpu.wait_dma2 semaphore(%arg11 : memref<!tpu.dma_semaphore, #tpu.memory_space<semaphore_mem>>) src(%dma_wait3A_92 : memref<2x128xi32, #tpu.memory_space<hbm>>) dst(%arg6 : memref<2x128xi32, #tpu.memory_space<vmem>>)
      %dma_wait3A_93 = arith.constant 0 : i32
      %dma_wait3A_94 = arith.constant 0 : i32
      %dma_wait3A_95 = tpu.memref_slice %arg7[%dma_wait3A_93, %dma_wait3A_94] : memref<2x128xi32, #tpu.memory_space<vmem>> -> memref<1x128xi32, #tpu.memory_space<vmem>>
      %dma_wait3A_96 = tpu.memref_squeeze %dma_wait3A_95 : memref<1x128xi32, #tpu.memory_space<vmem>> -> memref<128xi32, #tpu.memory_space<vmem>>
      %dma_wait3A_97 = arith.constant 0 : i32
      %dma_wait3A_98 = arith.constant 0 : i32
      %dma_wait3A_99 = tpu.memref_slice %arg2[%dma_wait3A_97, %dma_wait3A_98] : memref<10240x128xf32, #tpu.memory_space<hbm>> -> memref<10240x128xf32, #tpu.memory_space<hbm>>
      tpu.wait_indirect_dma semaphore(%arg14 : memref<!tpu.dma_semaphore, #tpu.memory_space<semaphore_mem>>) src(%dma_wait3A_99 : memref<10240x128xf32, #tpu.memory_space<hbm>>) dst(%arg9 : memref<128x128xf32, #tpu.memory_space<vmem>>)
      %dma_start3A_100 = arith.constant 0 : i32
      %dma_start3A_101 = arith.constant 0 : i32
      %dma_start3A_102 = tpu.memref_slice %arg6[%dma_start3A_100, %dma_start3A_101] : memref<2x128xi32, #tpu.memory_space<vmem>> -> memref<1x128xi32, #tpu.memory_space<vmem>>
      %dma_start3A_103 = tpu.memref_squeeze %dma_start3A_102 : memref<1x128xi32, #tpu.memory_space<vmem>> -> memref<128xi32, #tpu.memory_space<vmem>>
      %dma_start3A_104 = arith.constant 0 : i32
      %dma_start3A_105 = arith.constant 0 : i32
      %dma_start3A_106 = tpu.memref_slice %arg2[%dma_start3A_104, %dma_start3A_105] : memref<10240x128xf32, #tpu.memory_space<hbm>> -> memref<10240x128xf32, #tpu.memory_space<hbm>>
      tpu.enqueue_indirect_dma source(%dma_start3A_106 : memref<10240x128xf32, #tpu.memory_space<hbm>>) target(%arg8 : memref<128x128xf32, #tpu.memory_space<vmem>>) offsets(%dma_start3A_103 : memref<128xi32, #tpu.memory_space<vmem>>) semaphore(%arg13 : memref<!tpu.dma_semaphore, #tpu.memory_space<semaphore_mem>>)
      %run_scoped3A_107 = arith.constant 1 : i32
      "tpu.region"() ({
        %run_scoped3A_119 = tpu.sem_alloc : memref<!tpu.dma_semaphore, #tpu.memory_space<semaphore_mem>>
        %dma_start3A_120 = arith.constant 0 : i32
        %dma_start3A_121 = tpu.memref_slice %arg7[%run_scoped3A_107, %dma_start3A_120] : memref<2x128xi32, #tpu.memory_space<vmem>> -> memref<1x128xi32, #tpu.memory_space<vmem>>
        %dma_start3A_122 = tpu.memref_squeeze %dma_start3A_121 : memref<1x128xi32, #tpu.memory_space<vmem>> -> memref<128xi32, #tpu.memory_space<vmem>>
        %dma_start3A_123 = arith.constant 0 : i32
        %dma_start3A_124 = arith.constant 0 : i32
        %dma_start3A_125 = tpu.memref_slice %arg10[%dma_start3A_123, %dma_start3A_124] : memref<10240x128xf32, #tpu.memory_space<vmem_shared>> -> memref<10240x128xf32, #tpu.memory_space<vmem_shared>>
        tpu.enqueue_indirect_dma source(%arg9 : memref<128x128xf32, #tpu.memory_space<vmem>>) target(%dma_start3A_125 : memref<10240x128xf32, #tpu.memory_space<vmem_shared>>) offsets(%dma_start3A_122 : memref<128xi32, #tpu.memory_space<vmem>>) semaphore(%run_scoped3A_119 : memref<!tpu.dma_semaphore, #tpu.memory_space<semaphore_mem>>) {add = true}
        %dma_wait3A_126 = arith.constant 0 : i32
        %dma_wait3A_127 = tpu.memref_slice %arg7[%run_scoped3A_107, %dma_wait3A_126] : memref<2x128xi32, #tpu.memory_space<vmem>> -> memref<1x128xi32, #tpu.memory_space<vmem>>
        %dma_wait3A_128 = tpu.memref_squeeze %dma_wait3A_127 : memref<1x128xi32, #tpu.memory_space<vmem>> -> memref<128xi32, #tpu.memory_space<vmem>>
        %dma_wait3A_129 = arith.constant 0 : i32
        %dma_wait3A_130 = arith.constant 0 : i32
        %dma_wait3A_131 = tpu.memref_slice %arg10[%dma_wait3A_129, %dma_wait3A_130] : memref<10240x128xf32, #tpu.memory_space<vmem_shared>> -> memref<10240x128xf32, #tpu.memory_space<vmem_shared>>
        tpu.wait_indirect_dma semaphore(%run_scoped3A_119 : memref<!tpu.dma_semaphore, #tpu.memory_space<semaphore_mem>>) src(%arg9 : memref<128x128xf32, #tpu.memory_space<vmem>>) dst(%dma_wait3A_131 : memref<10240x128xf32, #tpu.memory_space<vmem_shared>>)
        tpu.yield
      }) : () -> ()
      %add3A_108 = arith.constant 3 : i32
      %add3A_109 = arith.addi %mul3A_59, %add3A_108 : i32
      %rem3A_110 = arith.constant 80 : i32
      %rem3A_111 = arith.remsi %add3A_109, %rem3A_110 : i32
      %mul3A_112 = arith.constant 128 : i32
      %mul3A_113 = arith.muli %rem3A_111, %mul3A_112 : i32
      %add3A_114 = arith.addi %mul3A_4, %mul3A_113 : i32
      %dma_start3A_115 = arith.constant 0 : i32
      %dma_start3A_116 = tpu.memref_slice %arg3[%dma_start3A_115, %add3A_114] : memref<2x327680xi32, #tpu.memory_space<hbm>> -> memref<2x128xi32, #tpu.memory_space<hbm>>
      %dma_start3A_117 = arith.constant 0 : i32
      %dma_start3A_118 = tpu.memref_slice %arg3[%dma_start3A_117, %add3A_114] : memref<2x327680xi32, #tpu.memory_space<hbm>> -> memref<2x128xi32, #tpu.memory_space<hbm>>
      tpu.enqueue_dma source(%dma_start3A_118 : memref<2x128xi32, #tpu.memory_space<hbm>>) target(%arg7 : memref<2x128xi32, #tpu.memory_space<vmem>>) target_semaphore(%arg12 : memref<!tpu.dma_semaphore, #tpu.memory_space<semaphore_mem>>)
    }
    %scan3A_37 = arith.constant 40 : i32
    %dma_wait3A_38 = arith.constant 0 : i32
    %dma_wait3A_39 = tpu.memref_slice %arg3[%dma_wait3A_38, %mul3A_4] : memref<2x327680xi32, #tpu.memory_space<hbm>> -> memref<2x128xi32, #tpu.memory_space<hbm>>
    %dma_wait3A_40 = arith.constant 0 : i32
    %dma_wait3A_41 = tpu.memref_slice %arg3[%dma_wait3A_40, %mul3A_4] : memref<2x327680xi32, #tpu.memory_space<hbm>> -> memref<2x128xi32, #tpu.memory_space<hbm>>
    tpu.wait_dma2 semaphore(%arg12 : memref<!tpu.dma_semaphore, #tpu.memory_space<semaphore_mem>>) src(%dma_wait3A_41 : memref<2x128xi32, #tpu.memory_space<hbm>>) dst(%arg7 : memref<2x128xi32, #tpu.memory_space<vmem>>)
    %dma_wait3A_42 = arith.constant 0 : i32
    %dma_wait3A_43 = arith.constant 0 : i32
    %dma_wait3A_44 = tpu.memref_slice %arg6[%dma_wait3A_42, %dma_wait3A_43] : memref<2x128xi32, #tpu.memory_space<vmem>> -> memref<1x128xi32, #tpu.memory_space<vmem>>
    %dma_wait3A_45 = tpu.memref_squeeze %dma_wait3A_44 : memref<1x128xi32, #tpu.memory_space<vmem>> -> memref<128xi32, #tpu.memory_space<vmem>>
    %dma_wait3A_46 = arith.constant 0 : i32
    %dma_wait3A_47 = arith.constant 0 : i32
    %dma_wait3A_48 = tpu.memref_slice %arg2[%dma_wait3A_46, %dma_wait3A_47] : memref<10240x128xf32, #tpu.memory_space<hbm>> -> memref<10240x128xf32, #tpu.memory_space<hbm>>
    tpu.wait_indirect_dma semaphore(%arg13 : memref<!tpu.dma_semaphore, #tpu.memory_space<semaphore_mem>>) src(%dma_wait3A_48 : memref<10240x128xf32, #tpu.memory_space<hbm>>) dst(%arg8 : memref<128x128xf32, #tpu.memory_space<vmem>>)
    %barrier3A_49 = arith.constant 0 : index
    tpu.barrier barrier_id(%barrier3A_49)
    %mul3A_50 = arith.constant 640 : i32
    %mul3A_51 = arith.muli %arg1, %mul3A_50 : i32
    %mul3A_52 = arith.constant 10240 : i32
    %mul3A_53 = arith.muli %arg0, %mul3A_52 : i32
    %mul3A_54 = arith.constant 640 : i32
    %mul3A_55 = arith.muli %arg1, %mul3A_54 : i32
    %add3A_56 = arith.addi %mul3A_53, %mul3A_55 : i32
    "tpu.region"() ({
      %run_scoped3A = tpu.sem_alloc : memref<!tpu.dma_semaphore, #tpu.memory_space<semaphore_mem>>
      %dma_start3A_57 = arith.constant 0 : i32
      %dma_start3A_58 = tpu.memref_slice %arg5[%add3A_56, %dma_start3A_57] : memref<20480x128xf32, #tpu.memory_space<hbm>> -> memref<640x128xf32, #tpu.memory_space<hbm>>
      %dma_start3A_59 = arith.constant 0 : i32
      %dma_start3A_60 = tpu.memref_slice %arg10[%mul3A_51, %dma_start3A_59] : memref<10240x128xf32, #tpu.memory_space<vmem_shared>> -> memref<640x128xf32, #tpu.memory_space<vmem_shared>>
      tpu.enqueue_dma source(%dma_start3A_60 : memref<640x128xf32, #tpu.memory_space<vmem_shared>>) target(%dma_start3A_58 : memref<640x128xf32, #tpu.memory_space<hbm>>) target_semaphore(%run_scoped3A : memref<!tpu.dma_semaphore, #tpu.memory_space<semaphore_mem>>)
      %dma_wait3A_61 = arith.constant 0 : i32
      %dma_wait3A_62 = tpu.memref_slice %arg5[%add3A_56, %dma_wait3A_61] : memref<20480x128xf32, #tpu.memory_space<hbm>> -> memref<640x128xf32, #tpu.memory_space<hbm>>
      %dma_wait3A_63 = arith.constant 0 : i32
      %dma_wait3A_64 = tpu.memref_slice %arg10[%mul3A_51, %dma_wait3A_63] : memref<10240x128xf32, #tpu.memory_space<vmem_shared>> -> memref<640x128xf32, #tpu.memory_space<vmem_shared>>
      tpu.wait_dma2 semaphore(%run_scoped3A : memref<!tpu.dma_semaphore, #tpu.memory_space<semaphore_mem>>) src(%dma_wait3A_64 : memref<640x128xf32, #tpu.memory_space<vmem_shared>>) dst(%dma_wait3A_62 : memref<640x128xf32, #tpu.memory_space<hbm>>)
      tpu.yield
    }) : () -> ()
    return
  }
}

#map = affine_map<(d0, d1) -> (0, 0)>
#map1 = affine_map<(d0, d1) -> (0)>
module attributes {stable_mosaic.version = 14 : i64} {
  func.func @_sc_degrees(%arg0: i32, %arg1: i32, %arg2: memref<2x327680xi32, #tpu.memory_space<hbm>>, %arg3: memref<640xf32, #tpu.memory_space<hbm>>, %arg4: memref<40960xf32, #tpu.memory_space<hbm>>, %arg5: memref<2x128xi32, #tpu.memory_space<vmem>>, %arg6: memref<2x128xi32, #tpu.memory_space<vmem>>, %arg7: memref<128xf32, #tpu.memory_space<vmem>>, %arg8: memref<10240xf32, #tpu.memory_space<vmem_shared>>, %arg9: memref<10240xf32, #tpu.memory_space<vmem_shared>>, %arg10: memref<!tpu.dma_semaphore, #tpu.memory_space<semaphore_mem>>, %arg11: memref<!tpu.dma_semaphore, #tpu.memory_space<semaphore_mem>>) attributes {dimension_semantics = [#tpu.dimension_semantics<core_parallel>, #tpu.dimension_semantics<subcore_parallel>], iteration_bounds = array<i64: 2, 16>, scalar_prefetch = 0 : i64, scratch_operands = 7 : i64, tpu.core_type = #tpu.core_type<sc_vector_subcore>, window_params = [{transform_indices = #map}, {transform_indices = #map1}, {transform_indices = #map1}]} {
    %mul3A = arith.constant 640 : i32
    %mul3A_0 = arith.muli %arg1, %mul3A : i32
    "tpu.region"() ({
      %run_scoped3A = tpu.sem_alloc : memref<!tpu.dma_semaphore, #tpu.memory_space<semaphore_mem>>
      %dma_start3A_100 = tpu.memref_slice %arg8[%mul3A_0] : memref<10240xf32, #tpu.memory_space<vmem_shared>> -> memref<640xf32, #tpu.memory_space<vmem_shared>>
      tpu.enqueue_dma source(%arg3 : memref<640xf32, #tpu.memory_space<hbm>>) target(%dma_start3A_100 : memref<640xf32, #tpu.memory_space<vmem_shared>>) target_semaphore(%run_scoped3A : memref<!tpu.dma_semaphore, #tpu.memory_space<semaphore_mem>>)
      %dma_wait3A_101 = tpu.memref_slice %arg8[%mul3A_0] : memref<10240xf32, #tpu.memory_space<vmem_shared>> -> memref<640xf32, #tpu.memory_space<vmem_shared>>
      tpu.wait_dma2 semaphore(%run_scoped3A : memref<!tpu.dma_semaphore, #tpu.memory_space<semaphore_mem>>) src(%arg3 : memref<640xf32, #tpu.memory_space<hbm>>) dst(%dma_wait3A_101 : memref<640xf32, #tpu.memory_space<vmem_shared>>)
      tpu.yield
    }) : () -> ()
    %mul3A_1 = arith.constant 640 : i32
    %mul3A_2 = arith.muli %arg1, %mul3A_1 : i32
    "tpu.region"() ({
      %run_scoped3A = tpu.sem_alloc : memref<!tpu.dma_semaphore, #tpu.memory_space<semaphore_mem>>
      %dma_start3A_100 = tpu.memref_slice %arg9[%mul3A_2] : memref<10240xf32, #tpu.memory_space<vmem_shared>> -> memref<640xf32, #tpu.memory_space<vmem_shared>>
      tpu.enqueue_dma source(%arg3 : memref<640xf32, #tpu.memory_space<hbm>>) target(%dma_start3A_100 : memref<640xf32, #tpu.memory_space<vmem_shared>>) target_semaphore(%run_scoped3A : memref<!tpu.dma_semaphore, #tpu.memory_space<semaphore_mem>>)
      %dma_wait3A_101 = tpu.memref_slice %arg9[%mul3A_2] : memref<10240xf32, #tpu.memory_space<vmem_shared>> -> memref<640xf32, #tpu.memory_space<vmem_shared>>
      tpu.wait_dma2 semaphore(%run_scoped3A : memref<!tpu.dma_semaphore, #tpu.memory_space<semaphore_mem>>) src(%arg3 : memref<640xf32, #tpu.memory_space<hbm>>) dst(%dma_wait3A_101 : memref<640xf32, #tpu.memory_space<vmem_shared>>)
      tpu.yield
    }) : () -> ()
    %broadcast_in_dim3A = arith.constant 1.000000e+00 : f32
    %broadcast_in_dim3A_3 = vector.broadcast %broadcast_in_dim3A : f32 to vector<16xf32>
    %swap3A = arith.constant 0 : index
    %swap3A_4 = tpu.vector_load %arg7[%swap3A] {strides = array<i32>} : memref<128xf32, #tpu.memory_space<vmem>>, vector<16xf32>,
    %swap3A_5 = vector.shape_cast %swap3A_4 : vector<16xf32> to vector<16xf32>
    %swap3A_6 = vector.shape_cast %broadcast_in_dim3A_3 : vector<16xf32> to vector<16xf32>
    tpu.vector_store %arg7[%swap3A], %swap3A_6 {strides = array<i32>} : memref<128xf32, #tpu.memory_space<vmem>>, vector<16xf32>,
    %broadcast_in_dim3A_7 = arith.constant 1.000000e+00 : f32
    %broadcast_in_dim3A_8 = vector.broadcast %broadcast_in_dim3A_7 : f32 to vector<16xf32>
    %swap3A_9 = arith.constant 16 : index
    %swap3A_10 = tpu.vector_load %arg7[%swap3A_9] {strides = array<i32>} : memref<128xf32, #tpu.memory_space<vmem>>, vector<16xf32>,
    %swap3A_11 = vector.shape_cast %swap3A_10 : vector<16xf32> to vector<16xf32>
    %swap3A_12 = vector.shape_cast %broadcast_in_dim3A_8 : vector<16xf32> to vector<16xf32>
    tpu.vector_store %arg7[%swap3A_9], %swap3A_12 {strides = array<i32>} : memref<128xf32, #tpu.memory_space<vmem>>, vector<16xf32>,
    %broadcast_in_dim3A_13 = arith.constant 1.000000e+00 : f32
    %broadcast_in_dim3A_14 = vector.broadcast %broadcast_in_dim3A_13 : f32 to vector<16xf32>
    %swap3A_15 = arith.constant 32 : index
    %swap3A_16 = tpu.vector_load %arg7[%swap3A_15] {strides = array<i32>} : memref<128xf32, #tpu.memory_space<vmem>>, vector<16xf32>,
    %swap3A_17 = vector.shape_cast %swap3A_16 : vector<16xf32> to vector<16xf32>
    %swap3A_18 = vector.shape_cast %broadcast_in_dim3A_14 : vector<16xf32> to vector<16xf32>
    tpu.vector_store %arg7[%swap3A_15], %swap3A_18 {strides = array<i32>} : memref<128xf32, #tpu.memory_space<vmem>>, vector<16xf32>,
    %broadcast_in_dim3A_19 = arith.constant 1.000000e+00 : f32
    %broadcast_in_dim3A_20 = vector.broadcast %broadcast_in_dim3A_19 : f32 to vector<16xf32>
    %swap3A_21 = arith.constant 48 : index
    %swap3A_22 = tpu.vector_load %arg7[%swap3A_21] {strides = array<i32>} : memref<128xf32, #tpu.memory_space<vmem>>, vector<16xf32>,
    %swap3A_23 = vector.shape_cast %swap3A_22 : vector<16xf32> to vector<16xf32>
    %swap3A_24 = vector.shape_cast %broadcast_in_dim3A_20 : vector<16xf32> to vector<16xf32>
    tpu.vector_store %arg7[%swap3A_21], %swap3A_24 {strides = array<i32>} : memref<128xf32, #tpu.memory_space<vmem>>, vector<16xf32>,
    %broadcast_in_dim3A_25 = arith.constant 1.000000e+00 : f32
    %broadcast_in_dim3A_26 = vector.broadcast %broadcast_in_dim3A_25 : f32 to vector<16xf32>
    %swap3A_27 = arith.constant 64 : index
    %swap3A_28 = tpu.vector_load %arg7[%swap3A_27] {strides = array<i32>} : memref<128xf32, #tpu.memory_space<vmem>>, vector<16xf32>,
    %swap3A_29 = vector.shape_cast %swap3A_28 : vector<16xf32> to vector<16xf32>
    %swap3A_30 = vector.shape_cast %broadcast_in_dim3A_26 : vector<16xf32> to vector<16xf32>
    tpu.vector_store %arg7[%swap3A_27], %swap3A_30 {strides = array<i32>} : memref<128xf32, #tpu.memory_space<vmem>>, vector<16xf32>,
    %broadcast_in_dim3A_31 = arith.constant 1.000000e+00 : f32
    %broadcast_in_dim3A_32 = vector.broadcast %broadcast_in_dim3A_31 : f32 to vector<16xf32>
    %swap3A_33 = arith.constant 80 : index
    %swap3A_34 = tpu.vector_load %arg7[%swap3A_33] {strides = array<i32>} : memref<128xf32, #tpu.memory_space<vmem>>, vector<16xf32>,
    %swap3A_35 = vector.shape_cast %swap3A_34 : vector<16xf32> to vector<16xf32>
    %swap3A_36 = vector.shape_cast %broadcast_in_dim3A_32 : vector<16xf32> to vector<16xf32>
    tpu.vector_store %arg7[%swap3A_33], %swap3A_36 {strides = array<i32>} : memref<128xf32, #tpu.memory_space<vmem>>, vector<16xf32>,
    %broadcast_in_dim3A_37 = arith.constant 1.000000e+00 : f32
    %broadcast_in_dim3A_38 = vector.broadcast %broadcast_in_dim3A_37 : f32 to vector<16xf32>
    %swap3A_39 = arith.constant 96 : index
    %swap3A_40 = tpu.vector_load %arg7[%swap3A_39] {strides = array<i32>} : memref<128xf32, #tpu.memory_space<vmem>>, vector<16xf32>,
    %swap3A_41 = vector.shape_cast %swap3A_40 : vector<16xf32> to vector<16xf32>
    %swap3A_42 = vector.shape_cast %broadcast_in_dim3A_38 : vector<16xf32> to vector<16xf32>
    tpu.vector_store %arg7[%swap3A_39], %swap3A_42 {strides = array<i32>} : memref<128xf32, #tpu.memory_space<vmem>>, vector<16xf32>,
    %broadcast_in_dim3A_43 = arith.constant 1.000000e+00 : f32
    %broadcast_in_dim3A_44 = vector.broadcast %broadcast_in_dim3A_43 : f32 to vector<16xf32>
    %swap3A_45 = arith.constant 112 : index
    %swap3A_46 = tpu.vector_load %arg7[%swap3A_45] {strides = array<i32>} : memref<128xf32, #tpu.memory_space<vmem>>, vector<16xf32>,
    %swap3A_47 = vector.shape_cast %swap3A_46 : vector<16xf32> to vector<16xf32>
    %swap3A_48 = vector.shape_cast %broadcast_in_dim3A_44 : vector<16xf32> to vector<16xf32>
    tpu.vector_store %arg7[%swap3A_45], %swap3A_48 {strides = array<i32>} : memref<128xf32, #tpu.memory_space<vmem>>, vector<16xf32>,
    %barrier3A = arith.constant 0 : index
    tpu.barrier barrier_id(%barrier3A)
    %mul3A_49 = arith.constant 16 : i32
    %mul3A_50 = arith.muli %arg0, %mul3A_49 : i32
    %add3A = arith.addi %mul3A_50, %arg1 : i32
    %mul3A_51 = arith.constant 10240 : i32
    %mul3A_52 = arith.muli %add3A, %mul3A_51 : i32
    %rem3A = arith.constant 0 : i32
    %rem3A_53 = arith.constant 80 : i32
    %rem3A_54 = arith.remsi %rem3A, %rem3A_53 : i32
    %mul3A_55 = arith.constant 128 : i32
    %mul3A_56 = arith.muli %rem3A_54, %mul3A_55 : i32
    %add3A_57 = arith.addi %mul3A_52, %mul3A_56 : i32
    %dma_start3A = arith.constant 0 : i32
    %dma_start3A_58 = tpu.memref_slice %arg2[%dma_start3A, %add3A_57] : memref<2x327680xi32, #tpu.memory_space<hbm>> -> memref<2x128xi32, #tpu.memory_space<hbm>>
    %dma_start3A_59 = arith.constant 0 : i32
    %dma_start3A_60 = tpu.memref_slice %arg2[%dma_start3A_59, %add3A_57] : memref<2x327680xi32, #tpu.memory_space<hbm>> -> memref<2x128xi32, #tpu.memory_space<hbm>>
    tpu.enqueue_dma source(%dma_start3A_60 : memref<2x128xi32, #tpu.memory_space<hbm>>) target(%arg5 : memref<2x128xi32, #tpu.memory_space<vmem>>) target_semaphore(%arg10 : memref<!tpu.dma_semaphore, #tpu.memory_space<semaphore_mem>>)
    %rem3A_61 = arith.constant 1 : i32
    %rem3A_62 = arith.constant 80 : i32
    %rem3A_63 = arith.remsi %rem3A_61, %rem3A_62 : i32
    %mul3A_64 = arith.constant 128 : i32
    %mul3A_65 = arith.muli %rem3A_63, %mul3A_64 : i32
    %add3A_66 = arith.addi %mul3A_52, %mul3A_65 : i32
    %dma_start3A_67 = arith.constant 0 : i32
    %dma_start3A_68 = tpu.memref_slice %arg2[%dma_start3A_67, %add3A_66] : memref<2x327680xi32, #tpu.memory_space<hbm>> -> memref<2x128xi32, #tpu.memory_space<hbm>>
    %dma_start3A_69 = arith.constant 0 : i32
    %dma_start3A_70 = tpu.memref_slice %arg2[%dma_start3A_69, %add3A_66] : memref<2x327680xi32, #tpu.memory_space<hbm>> -> memref<2x128xi32, #tpu.memory_space<hbm>>
    tpu.enqueue_dma source(%dma_start3A_70 : memref<2x128xi32, #tpu.memory_space<hbm>>) target(%arg6 : memref<2x128xi32, #tpu.memory_space<vmem>>) target_semaphore(%arg11 : memref<!tpu.dma_semaphore, #tpu.memory_space<semaphore_mem>>)
    %scan3A = arith.constant 0 : i32
    %scan3A_71 = arith.constant 0 : i32
    %scan3A_72 = arith.constant 40 : i32
    %scan3A_73 = arith.addi %scan3A_71, %scan3A_72 : i32
    %scan3A_74 = arith.constant 1 : i32
    scf.for %scan3A_100 = %scan3A_71 to %scan3A_73 step %scan3A_74  : i32 {
      %mul3A_101 = arith.constant 2 : i32
      %mul3A_102 = arith.muli %mul3A_101, %scan3A_100 : i32
      %dma_wait3A_103 = arith.constant 0 : i32
      %dma_wait3A_104 = tpu.memref_slice %arg2[%dma_wait3A_103, %mul3A_52] : memref<2x327680xi32, #tpu.memory_space<hbm>> -> memref<2x128xi32, #tpu.memory_space<hbm>>
      %dma_wait3A_105 = arith.constant 0 : i32
      %dma_wait3A_106 = tpu.memref_slice %arg2[%dma_wait3A_105, %mul3A_52] : memref<2x327680xi32, #tpu.memory_space<hbm>> -> memref<2x128xi32, #tpu.memory_space<hbm>>
      tpu.wait_dma2 semaphore(%arg10 : memref<!tpu.dma_semaphore, #tpu.memory_space<semaphore_mem>>) src(%dma_wait3A_106 : memref<2x128xi32, #tpu.memory_space<hbm>>) dst(%arg5 : memref<2x128xi32, #tpu.memory_space<vmem>>)
      %run_scoped3A = arith.constant 0 : i32
      "tpu.region"() ({
        %run_scoped3A_136 = tpu.sem_alloc : memref<!tpu.dma_semaphore, #tpu.memory_space<semaphore_mem>>
        %dma_start3A_137 = arith.constant 0 : i32
        %dma_start3A_138 = tpu.memref_slice %arg5[%run_scoped3A, %dma_start3A_137] : memref<2x128xi32, #tpu.memory_space<vmem>> -> memref<1x128xi32, #tpu.memory_space<vmem>>
        %dma_start3A_139 = tpu.memref_squeeze %dma_start3A_138 : memref<1x128xi32, #tpu.memory_space<vmem>> -> memref<128xi32, #tpu.memory_space<vmem>>
        %dma_start3A_140 = arith.constant 0 : i32
        %dma_start3A_141 = tpu.memref_slice %arg8[%dma_start3A_140] : memref<10240xf32, #tpu.memory_space<vmem_shared>> -> memref<10240xf32, #tpu.memory_space<vmem_shared>>
        tpu.enqueue_indirect_dma source(%arg7 : memref<128xf32, #tpu.memory_space<vmem>>) target(%dma_start3A_141 : memref<10240xf32, #tpu.memory_space<vmem_shared>>) offsets(%dma_start3A_139 : memref<128xi32, #tpu.memory_space<vmem>>) semaphore(%run_scoped3A_136 : memref<!tpu.dma_semaphore, #tpu.memory_space<semaphore_mem>>) {add = true}
        %dma_wait3A_142 = arith.constant 0 : i32
        %dma_wait3A_143 = tpu.memref_slice %arg5[%run_scoped3A, %dma_wait3A_142] : memref<2x128xi32, #tpu.memory_space<vmem>> -> memref<1x128xi32, #tpu.memory_space<vmem>>
        %dma_wait3A_144 = tpu.memref_squeeze %dma_wait3A_143 : memref<1x128xi32, #tpu.memory_space<vmem>> -> memref<128xi32, #tpu.memory_space<vmem>>
        %dma_wait3A_145 = arith.constant 0 : i32
        %dma_wait3A_146 = tpu.memref_slice %arg8[%dma_wait3A_145] : memref<10240xf32, #tpu.memory_space<vmem_shared>> -> memref<10240xf32, #tpu.memory_space<vmem_shared>>
        tpu.wait_indirect_dma semaphore(%run_scoped3A_136 : memref<!tpu.dma_semaphore, #tpu.memory_space<semaphore_mem>>) src(%arg7 : memref<128xf32, #tpu.memory_space<vmem>>) dst(%dma_wait3A_146 : memref<10240xf32, #tpu.memory_space<vmem_shared>>)
        tpu.yield
      }) : () -> ()
      %run_scoped3A_107 = arith.constant 1 : i32
      "tpu.region"() ({
        %run_scoped3A_136 = tpu.sem_alloc : memref<!tpu.dma_semaphore, #tpu.memory_space<semaphore_mem>>
        %dma_start3A_137 = arith.constant 0 : i32
        %dma_start3A_138 = tpu.memref_slice %arg5[%run_scoped3A_107, %dma_start3A_137] : memref<2x128xi32, #tpu.memory_space<vmem>> -> memref<1x128xi32, #tpu.memory_space<vmem>>
        %dma_start3A_139 = tpu.memref_squeeze %dma_start3A_138 : memref<1x128xi32, #tpu.memory_space<vmem>> -> memref<128xi32, #tpu.memory_space<vmem>>
        %dma_start3A_140 = arith.constant 0 : i32
        %dma_start3A_141 = tpu.memref_slice %arg9[%dma_start3A_140] : memref<10240xf32, #tpu.memory_space<vmem_shared>> -> memref<10240xf32, #tpu.memory_space<vmem_shared>>
        tpu.enqueue_indirect_dma source(%arg7 : memref<128xf32, #tpu.memory_space<vmem>>) target(%dma_start3A_141 : memref<10240xf32, #tpu.memory_space<vmem_shared>>) offsets(%dma_start3A_139 : memref<128xi32, #tpu.memory_space<vmem>>) semaphore(%run_scoped3A_136 : memref<!tpu.dma_semaphore, #tpu.memory_space<semaphore_mem>>) {add = true}
        %dma_wait3A_142 = arith.constant 0 : i32
        %dma_wait3A_143 = tpu.memref_slice %arg5[%run_scoped3A_107, %dma_wait3A_142] : memref<2x128xi32, #tpu.memory_space<vmem>> -> memref<1x128xi32, #tpu.memory_space<vmem>>
        %dma_wait3A_144 = tpu.memref_squeeze %dma_wait3A_143 : memref<1x128xi32, #tpu.memory_space<vmem>> -> memref<128xi32, #tpu.memory_space<vmem>>
        %dma_wait3A_145 = arith.constant 0 : i32
        %dma_wait3A_146 = tpu.memref_slice %arg9[%dma_wait3A_145] : memref<10240xf32, #tpu.memory_space<vmem_shared>> -> memref<10240xf32, #tpu.memory_space<vmem_shared>>
        tpu.wait_indirect_dma semaphore(%run_scoped3A_136 : memref<!tpu.dma_semaphore, #tpu.memory_space<semaphore_mem>>) src(%arg7 : memref<128xf32, #tpu.memory_space<vmem>>) dst(%dma_wait3A_146 : memref<10240xf32, #tpu.memory_space<vmem_shared>>)
        tpu.yield
      }) : () -> ()
      %add3A_108 = arith.constant 2 : i32
      %add3A_109 = arith.addi %mul3A_102, %add3A_108 : i32
      %rem3A_110 = arith.constant 80 : i32
      %rem3A_111 = arith.remsi %add3A_109, %rem3A_110 : i32
      %mul3A_112 = arith.constant 128 : i32
      %mul3A_113 = arith.muli %rem3A_111, %mul3A_112 : i32
      %add3A_114 = arith.addi %mul3A_52, %mul3A_113 : i32
      %dma_start3A_115 = arith.constant 0 : i32
      %dma_start3A_116 = tpu.memref_slice %arg2[%dma_start3A_115, %add3A_114] : memref<2x327680xi32, #tpu.memory_space<hbm>> -> memref<2x128xi32, #tpu.memory_space<hbm>>
      %dma_start3A_117 = arith.constant 0 : i32
      %dma_start3A_118 = tpu.memref_slice %arg2[%dma_start3A_117, %add3A_114] : memref<2x327680xi32, #tpu.memory_space<hbm>> -> memref<2x128xi32, #tpu.memory_space<hbm>>
      tpu.enqueue_dma source(%dma_start3A_118 : memref<2x128xi32, #tpu.memory_space<hbm>>) target(%arg5 : memref<2x128xi32, #tpu.memory_space<vmem>>) target_semaphore(%arg10 : memref<!tpu.dma_semaphore, #tpu.memory_space<semaphore_mem>>)
      %dma_wait3A_119 = arith.constant 0 : i32
      %dma_wait3A_120 = tpu.memref_slice %arg2[%dma_wait3A_119, %mul3A_52] : memref<2x327680xi32, #tpu.memory_space<hbm>> -> memref<2x128xi32, #tpu.memory_space<hbm>>
      %dma_wait3A_121 = arith.constant 0 : i32
      %dma_wait3A_122 = tpu.memref_slice %arg2[%dma_wait3A_121, %mul3A_52] : memref<2x327680xi32, #tpu.memory_space<hbm>> -> memref<2x128xi32, #tpu.memory_space<hbm>>
      tpu.wait_dma2 semaphore(%arg11 : memref<!tpu.dma_semaphore, #tpu.memory_space<semaphore_mem>>) src(%dma_wait3A_122 : memref<2x128xi32, #tpu.memory_space<hbm>>) dst(%arg6 : memref<2x128xi32, #tpu.memory_space<vmem>>)
      %run_scoped3A_123 = arith.constant 0 : i32
      "tpu.region"() ({
        %run_scoped3A_136 = tpu.sem_alloc : memref<!tpu.dma_semaphore, #tpu.memory_space<semaphore_mem>>
        %dma_start3A_137 = arith.constant 0 : i32
        %dma_start3A_138 = tpu.memref_slice %arg6[%run_scoped3A_123, %dma_start3A_137] : memref<2x128xi32, #tpu.memory_space<vmem>> -> memref<1x128xi32, #tpu.memory_space<vmem>>
        %dma_start3A_139 = tpu.memref_squeeze %dma_start3A_138 : memref<1x128xi32, #tpu.memory_space<vmem>> -> memref<128xi32, #tpu.memory_space<vmem>>
        %dma_start3A_140 = arith.constant 0 : i32
        %dma_start3A_141 = tpu.memref_slice %arg8[%dma_start3A_140] : memref<10240xf32, #tpu.memory_space<vmem_shared>> -> memref<10240xf32, #tpu.memory_space<vmem_shared>>
        tpu.enqueue_indirect_dma source(%arg7 : memref<128xf32, #tpu.memory_space<vmem>>) target(%dma_start3A_141 : memref<10240xf32, #tpu.memory_space<vmem_shared>>) offsets(%dma_start3A_139 : memref<128xi32, #tpu.memory_space<vmem>>) semaphore(%run_scoped3A_136 : memref<!tpu.dma_semaphore, #tpu.memory_space<semaphore_mem>>) {add = true}
        %dma_wait3A_142 = arith.constant 0 : i32
        %dma_wait3A_143 = tpu.memref_slice %arg6[%run_scoped3A_123, %dma_wait3A_142] : memref<2x128xi32, #tpu.memory_space<vmem>> -> memref<1x128xi32, #tpu.memory_space<vmem>>
        %dma_wait3A_144 = tpu.memref_squeeze %dma_wait3A_143 : memref<1x128xi32, #tpu.memory_space<vmem>> -> memref<128xi32, #tpu.memory_space<vmem>>
        %dma_wait3A_145 = arith.constant 0 : i32
        %dma_wait3A_146 = tpu.memref_slice %arg8[%dma_wait3A_145] : memref<10240xf32, #tpu.memory_space<vmem_shared>> -> memref<10240xf32, #tpu.memory_space<vmem_shared>>
        tpu.wait_indirect_dma semaphore(%run_scoped3A_136 : memref<!tpu.dma_semaphore, #tpu.memory_space<semaphore_mem>>) src(%arg7 : memref<128xf32, #tpu.memory_space<vmem>>) dst(%dma_wait3A_146 : memref<10240xf32, #tpu.memory_space<vmem_shared>>)
        tpu.yield
      }) : () -> ()
      %run_scoped3A_124 = arith.constant 1 : i32
      "tpu.region"() ({
        %run_scoped3A_136 = tpu.sem_alloc : memref<!tpu.dma_semaphore, #tpu.memory_space<semaphore_mem>>
        %dma_start3A_137 = arith.constant 0 : i32
        %dma_start3A_138 = tpu.memref_slice %arg6[%run_scoped3A_124, %dma_start3A_137] : memref<2x128xi32, #tpu.memory_space<vmem>> -> memref<1x128xi32, #tpu.memory_space<vmem>>
        %dma_start3A_139 = tpu.memref_squeeze %dma_start3A_138 : memref<1x128xi32, #tpu.memory_space<vmem>> -> memref<128xi32, #tpu.memory_space<vmem>>
        %dma_start3A_140 = arith.constant 0 : i32
        %dma_start3A_141 = tpu.memref_slice %arg9[%dma_start3A_140] : memref<10240xf32, #tpu.memory_space<vmem_shared>> -> memref<10240xf32, #tpu.memory_space<vmem_shared>>
        tpu.enqueue_indirect_dma source(%arg7 : memref<128xf32, #tpu.memory_space<vmem>>) target(%dma_start3A_141 : memref<10240xf32, #tpu.memory_space<vmem_shared>>) offsets(%dma_start3A_139 : memref<128xi32, #tpu.memory_space<vmem>>) semaphore(%run_scoped3A_136 : memref<!tpu.dma_semaphore, #tpu.memory_space<semaphore_mem>>) {add = true}
        %dma_wait3A_142 = arith.constant 0 : i32
        %dma_wait3A_143 = tpu.memref_slice %arg6[%run_scoped3A_124, %dma_wait3A_142] : memref<2x128xi32, #tpu.memory_space<vmem>> -> memref<1x128xi32, #tpu.memory_space<vmem>>
        %dma_wait3A_144 = tpu.memref_squeeze %dma_wait3A_143 : memref<1x128xi32, #tpu.memory_space<vmem>> -> memref<128xi32, #tpu.memory_space<vmem>>
        %dma_wait3A_145 = arith.constant 0 : i32
        %dma_wait3A_146 = tpu.memref_slice %arg9[%dma_wait3A_145] : memref<10240xf32, #tpu.memory_space<vmem_shared>> -> memref<10240xf32, #tpu.memory_space<vmem_shared>>
        tpu.wait_indirect_dma semaphore(%run_scoped3A_136 : memref<!tpu.dma_semaphore, #tpu.memory_space<semaphore_mem>>) src(%arg7 : memref<128xf32, #tpu.memory_space<vmem>>) dst(%dma_wait3A_146 : memref<10240xf32, #tpu.memory_space<vmem_shared>>)
        tpu.yield
      }) : () -> ()
      %add3A_125 = arith.constant 3 : i32
      %add3A_126 = arith.addi %mul3A_102, %add3A_125 : i32
      %rem3A_127 = arith.constant 80 : i32
      %rem3A_128 = arith.remsi %add3A_126, %rem3A_127 : i32
      %mul3A_129 = arith.constant 128 : i32
      %mul3A_130 = arith.muli %rem3A_128, %mul3A_129 : i32
      %add3A_131 = arith.addi %mul3A_52, %mul3A_130 : i32
      %dma_start3A_132 = arith.constant 0 : i32
      %dma_start3A_133 = tpu.memref_slice %arg2[%dma_start3A_132, %add3A_131] : memref<2x327680xi32, #tpu.memory_space<hbm>> -> memref<2x128xi32, #tpu.memory_space<hbm>>
      %dma_start3A_134 = arith.constant 0 : i32
      %dma_start3A_135 = tpu.memref_slice %arg2[%dma_start3A_134, %add3A_131] : memref<2x327680xi32, #tpu.memory_space<hbm>> -> memref<2x128xi32, #tpu.memory_space<hbm>>
      tpu.enqueue_dma source(%dma_start3A_135 : memref<2x128xi32, #tpu.memory_space<hbm>>) target(%arg6 : memref<2x128xi32, #tpu.memory_space<vmem>>) target_semaphore(%arg11 : memref<!tpu.dma_semaphore, #tpu.memory_space<semaphore_mem>>)
    }
    %scan3A_75 = arith.constant 40 : i32
    %dma_wait3A = arith.constant 0 : i32
    %dma_wait3A_76 = tpu.memref_slice %arg2[%dma_wait3A, %mul3A_52] : memref<2x327680xi32, #tpu.memory_space<hbm>> -> memref<2x128xi32, #tpu.memory_space<hbm>>
    %dma_wait3A_77 = arith.constant 0 : i32
    %dma_wait3A_78 = tpu.memref_slice %arg2[%dma_wait3A_77, %mul3A_52] : memref<2x327680xi32, #tpu.memory_space<hbm>> -> memref<2x128xi32, #tpu.memory_space<hbm>>
    tpu.wait_dma2 semaphore(%arg10 : memref<!tpu.dma_semaphore, #tpu.memory_space<semaphore_mem>>) src(%dma_wait3A_78 : memref<2x128xi32, #tpu.memory_space<hbm>>) dst(%arg5 : memref<2x128xi32, #tpu.memory_space<vmem>>)
    %dma_wait3A_79 = arith.constant 0 : i32
    %dma_wait3A_80 = tpu.memref_slice %arg2[%dma_wait3A_79, %mul3A_52] : memref<2x327680xi32, #tpu.memory_space<hbm>> -> memref<2x128xi32, #tpu.memory_space<hbm>>
    %dma_wait3A_81 = arith.constant 0 : i32
    %dma_wait3A_82 = tpu.memref_slice %arg2[%dma_wait3A_81, %mul3A_52] : memref<2x327680xi32, #tpu.memory_space<hbm>> -> memref<2x128xi32, #tpu.memory_space<hbm>>
    tpu.wait_dma2 semaphore(%arg11 : memref<!tpu.dma_semaphore, #tpu.memory_space<semaphore_mem>>) src(%dma_wait3A_82 : memref<2x128xi32, #tpu.memory_space<hbm>>) dst(%arg6 : memref<2x128xi32, #tpu.memory_space<vmem>>)
    %barrier3A_83 = arith.constant 0 : index
    tpu.barrier barrier_id(%barrier3A_83)
    %mul3A_84 = arith.constant 640 : i32
    %mul3A_85 = arith.muli %arg1, %mul3A_84 : i32
    %mul3A_86 = arith.constant 10240 : i32
    %mul3A_87 = arith.muli %arg0, %mul3A_86 : i32
    %mul3A_88 = arith.constant 640 : i32
    %mul3A_89 = arith.muli %arg1, %mul3A_88 : i32
    %add3A_90 = arith.addi %mul3A_87, %mul3A_89 : i32
    "tpu.region"() ({
      %run_scoped3A = tpu.sem_alloc : memref<!tpu.dma_semaphore, #tpu.memory_space<semaphore_mem>>
      %dma_start3A_100 = tpu.memref_slice %arg4[%add3A_90] : memref<40960xf32, #tpu.memory_space<hbm>> -> memref<640xf32, #tpu.memory_space<hbm>>
      %dma_start3A_101 = tpu.memref_slice %arg8[%mul3A_85] : memref<10240xf32, #tpu.memory_space<vmem_shared>> -> memref<640xf32, #tpu.memory_space<vmem_shared>>
      tpu.enqueue_dma source(%dma_start3A_101 : memref<640xf32, #tpu.memory_space<vmem_shared>>) target(%dma_start3A_100 : memref<640xf32, #tpu.memory_space<hbm>>) target_semaphore(%run_scoped3A : memref<!tpu.dma_semaphore, #tpu.memory_space<semaphore_mem>>)
      %dma_wait3A_102 = tpu.memref_slice %arg4[%add3A_90] : memref<40960xf32, #tpu.memory_space<hbm>> -> memref<640xf32, #tpu.memory_space<hbm>>
      %dma_wait3A_103 = tpu.memref_slice %arg8[%mul3A_85] : memref<10240xf32, #tpu.memory_space<vmem_shared>> -> memref<640xf32, #tpu.memory_space<vmem_shared>>
      tpu.wait_dma2 semaphore(%run_scoped3A : memref<!tpu.dma_semaphore, #tpu.memory_space<semaphore_mem>>) src(%dma_wait3A_103 : memref<640xf32, #tpu.memory_space<vmem_shared>>) dst(%dma_wait3A_102 : memref<640xf32, #tpu.memory_space<hbm>>)
      tpu.yield
    }) : () -> ()
    %mul3A_91 = arith.constant 640 : i32
    %mul3A_92 = arith.muli %arg1, %mul3A_91 : i32
    %mul3A_93 = arith.constant 10240 : i32
    %mul3A_94 = arith.muli %arg0, %mul3A_93 : i32
    %add3A_95 = arith.constant 20480 : i32
    %add3A_96 = arith.addi %add3A_95, %mul3A_94 : i32
    %mul3A_97 = arith.constant 640 : i32
    %mul3A_98 = arith.muli %arg1, %mul3A_97 : i32
    %add3A_99 = arith.addi %add3A_96, %mul3A_98 : i32
    "tpu.region"() ({
      %run_scoped3A = tpu.sem_alloc : memref<!tpu.dma_semaphore, #tpu.memory_space<semaphore_mem>>
      %dma_start3A_100 = tpu.memref_slice %arg4[%add3A_99] : memref<40960xf32, #tpu.memory_space<hbm>> -> memref<640xf32, #tpu.memory_space<hbm>>
      %dma_start3A_101 = tpu.memref_slice %arg9[%mul3A_92] : memref<10240xf32, #tpu.memory_space<vmem_shared>> -> memref<640xf32, #tpu.memory_space<vmem_shared>>
      tpu.enqueue_dma source(%dma_start3A_101 : memref<640xf32, #tpu.memory_space<vmem_shared>>) target(%dma_start3A_100 : memref<640xf32, #tpu.memory_space<hbm>>) target_semaphore(%run_scoped3A : memref<!tpu.dma_semaphore, #tpu.memory_space<semaphore_mem>>)
      %dma_wait3A_102 = tpu.memref_slice %arg4[%add3A_99] : memref<40960xf32, #tpu.memory_space<hbm>> -> memref<640xf32, #tpu.memory_space<hbm>>
      %dma_wait3A_103 = tpu.memref_slice %arg9[%mul3A_92] : memref<10240xf32, #tpu.memory_space<vmem_shared>> -> memref<640xf32, #tpu.memory_space<vmem_shared>>
      tpu.wait_dma2 semaphore(%run_scoped3A : memref<!tpu.dma_semaphore, #tpu.memory_space<semaphore_mem>>) src(%dma_wait3A_103 : memref<640xf32, #tpu.memory_space<vmem_shared>>) dst(%dma_wait3A_102 : memref<640xf32, #tpu.memory_space<hbm>>)
      tpu.yield
    }) : () -> ()
    return
  }
}

module attributes {stable_mosaic.version = 14 : i64} {
  func.func @_mm_body(%arg0: i32, %arg1: memref<1024x128xf32, #tpu.memory_space<vmem>>, %arg2: memref<128x128xf32, #tpu.memory_space<vmem>>, %arg3: memref<1024x128xf32, #tpu.memory_space<vmem>>) attributes {dimension_semantics = [#tpu.dimension_semantics<arbitrary>], iteration_bounds = array<i64: 10>, scalar_prefetch = 0 : i64, scratch_operands = 0 : i64, tpu.core_type = #tpu.core_type<tc>, window_params = [{transform_indices = @transform_0, window_bounds = array<i64: 1024, 128>}, {pipeline_mode = #tpu.pipeline_mode<synchronous>, transform_indices = @transform_1, window_bounds = array<i64: 128, 128>}, {transform_indices = @transform_2, window_bounds = array<i64: 1024, 128>}]} {
    %get3A = arith.constant 0 : index
    %get3A_0 = arith.constant 0 : index
    %get3A_1 = vector.load %arg1[%get3A, %get3A_0] : memref<1024x128xf32, #tpu.memory_space<vmem>>, vector<1024x128xf32>
    %get3A_2 = arith.constant 0 : index
    %get3A_3 = arith.constant 0 : index
    %get3A_4 = vector.load %arg2[%get3A_2, %get3A_3] : memref<128x128xf32, #tpu.memory_space<vmem>>, vector<128x128xf32>
    %dot_general3A = arith.constant dense<0.000000e+00> : vector<1024x128xf32>
    %dot_general3A_5 = tpu.matmul %get3A_1, %get3A_4, %dot_general3A {dimension_numbers = #tpu.dot_dimension_numbers<[1], [0], [0], [1], [0, 0, 1, 1], [], []>, transpose_lhs_hint = false} : vector<1024x128xf32>, vector<128x128xf32>, vector<1024x128xf32> -> vector<1024x128xf32>
    %swap3A = arith.constant 0 : index
    %swap3A_6 = arith.constant 0 : index
    %swap3A_7 = vector.load %arg3[%swap3A, %swap3A_6] : memref<1024x128xf32, #tpu.memory_space<vmem>>, vector<1024x128xf32>
    tpu.vector_store %arg3[%swap3A, %swap3A_6], %dot_general3A_5 {strides = array<i32>} : memref<1024x128xf32, #tpu.memory_space<vmem>>, vector<1024x128xf32>,
    return
  }
  func.func @transform_0(%arg0: i32) -> (i32, i32) {
    %c0_i32 = arith.constant 0 : i32
    %c0_i32_0 = arith.constant 0 : i32
    return %arg0, %c0_i32 : i32, i32
  }
  func.func @transform_1(%arg0: i32) -> (i32, i32) {
    %c0_i32 = arith.constant 0 : i32
    %c0_i32_0 = arith.constant 0 : i32
    %c0_i32_1 = arith.constant 0 : i32
    return %c0_i32, %c0_i32_0 : i32, i32
  }
  func.func @transform_2(%arg0: i32) -> (i32, i32) {
    %c0_i32 = arith.constant 0 : i32
    %c0_i32_0 = arith.constant 0 : i32
    return %arg0, %c0_i32 : i32, i32
  }
}

module attributes {stable_mosaic.version = 14 : i64} {
  func.func @_scale_body(%arg0: i32, %arg1: memref<1024x128xf32, #tpu.memory_space<vmem>>, %arg2: memref<4x1024xf32, #tpu.memory_space<vmem>>, %arg3: memref<1024x128xf32, #tpu.memory_space<vmem>>) attributes {dimension_semantics = [#tpu.dimension_semantics<arbitrary>], iteration_bounds = array<i64: 10>, scalar_prefetch = 0 : i64, scratch_operands = 0 : i64, tpu.core_type = #tpu.core_type<tc>, window_params = [{transform_indices = @transform_0, window_bounds = array<i64: 1024, 128>}, {transform_indices = @transform_1, window_bounds = array<i64: 4, 1024>}, {transform_indices = @transform_2, window_bounds = array<i64: 1024, 128>}]} {
    %get3A = arith.constant 0 : index
    %get3A_0 = arith.constant 0 : index
    %get3A_1 = vector.load %arg2[%get3A, %get3A_0] : memref<4x1024xf32, #tpu.memory_space<vmem>>, vector<4x1024xf32>
    %slice3A = vector.extract_strided_slice %get3A_1 {offsets = [0, 0], sizes = [1, 1024], strides = [1, 1]} : vector<4x1024xf32> to vector<1x1024xf32>
    %slice3A_2 = vector.extract_strided_slice %get3A_1 {offsets = [1, 0], sizes = [1, 1024], strides = [1, 1]} : vector<4x1024xf32> to vector<1x1024xf32>
    %add3A = arith.addf %slice3A, %slice3A_2 : vector<1x1024xf32>
    %max3A = arith.constant 1.000000e+00 : f32
    %max3A_3 = vector.broadcast %max3A : f32 to vector<1x1024xf32>
    %max3A_4 = arith.maximumf %add3A, %max3A_3 : vector<1x1024xf32>
    %rsqrt3A = math.rsqrt %max3A_4 : vector<1x1024xf32>
    %transpose3A = tpu.transpose %rsqrt3A, [1, 0] : vector<1x1024xf32> -> vector<1024x1xf32>
    %get3A_5 = arith.constant 0 : index
    %get3A_6 = arith.constant 0 : index
    %get3A_7 = vector.load %arg1[%get3A_5, %get3A_6] : memref<1024x128xf32, #tpu.memory_space<vmem>>, vector<1024x128xf32>
    %mul3A = vector.broadcast %transpose3A : vector<1024x1xf32> to vector<1024x128xf32>
    %mul3A_8 = arith.mulf %get3A_7, %mul3A : vector<1024x128xf32>
    %swap3A = arith.constant 0 : index
    %swap3A_9 = arith.constant 0 : index
    %swap3A_10 = vector.load %arg3[%swap3A, %swap3A_9] : memref<1024x128xf32, #tpu.memory_space<vmem>>, vector<1024x128xf32>
    tpu.vector_store %arg3[%swap3A, %swap3A_9], %mul3A_8 {strides = array<i32>} : memref<1024x128xf32, #tpu.memory_space<vmem>>, vector<1024x128xf32>,
    return
  }
  func.func @transform_0(%arg0: i32) -> (i32, i32) {
    %c0_i32 = arith.constant 0 : i32
    %c0_i32_0 = arith.constant 0 : i32
    return %arg0, %c0_i32 : i32, i32
  }
  func.func @transform_1(%arg0: i32) -> (i32, i32) {
    %c0_i32 = arith.constant 0 : i32
    %c0_i32_0 = arith.constant 0 : i32
    return %c0_i32, %arg0 : i32, i32
  }
  func.func @transform_2(%arg0: i32) -> (i32, i32) {
    %c0_i32 = arith.constant 0 : i32
    %c0_i32_0 = arith.constant 0 : i32
    return %arg0, %c0_i32 : i32, i32
  }
}

module attributes {stable_mosaic.version = 14 : i64} {
  func.func @_layer2_body(%arg0: i32, %arg1: memref<1024x128xf32, #tpu.memory_space<vmem>>, %arg2: memref<1024x128xf32, #tpu.memory_space<vmem>>, %arg3: memref<4x1024xf32, #tpu.memory_space<vmem>>, %arg4: memref<1x128xf32, #tpu.memory_space<vmem>>, %arg5: memref<128x64xf32, #tpu.memory_space<vmem>>, %arg6: memref<1024x128xf32, #tpu.memory_space<vmem>>, %arg7: memref<1024x64xf32, #tpu.memory_space<vmem>>) attributes {dimension_semantics = [#tpu.dimension_semantics<arbitrary>], iteration_bounds = array<i64: 10>, scalar_prefetch = 0 : i64, scratch_operands = 0 : i64, tpu.core_type = #tpu.core_type<tc>, window_params = [{transform_indices = @transform_0, window_bounds = array<i64: 1024, 128>}, {transform_indices = @transform_1, window_bounds = array<i64: 1024, 128>}, {transform_indices = @transform_2, window_bounds = array<i64: 4, 1024>}, {pipeline_mode = #tpu.pipeline_mode<synchronous>, transform_indices = @transform_3, window_bounds = array<i64: 1, 128>}, {pipeline_mode = #tpu.pipeline_mode<synchronous>, transform_indices = @transform_4, window_bounds = array<i64: 128, 64>}, {transform_indices = @transform_5, window_bounds = array<i64: 1024, 128>}, {transform_indices = @transform_6, window_bounds = array<i64: 1024, 64>}]} {
    %get3A = arith.constant 0 : index
    %get3A_0 = arith.constant 0 : index
    %get3A_1 = vector.load %arg3[%get3A, %get3A_0] : memref<4x1024xf32, #tpu.memory_space<vmem>>, vector<4x1024xf32>
    %slice3A = vector.extract_strided_slice %get3A_1 {offsets = [0, 0], sizes = [1, 1024], strides = [1, 1]} : vector<4x1024xf32> to vector<1x1024xf32>
    %slice3A_2 = vector.extract_strided_slice %get3A_1 {offsets = [1, 0], sizes = [1, 1024], strides = [1, 1]} : vector<4x1024xf32> to vector<1x1024xf32>
    %add3A = arith.addf %slice3A, %slice3A_2 : vector<1x1024xf32>
    %max3A = arith.constant 1.000000e+00 : f32
    %max3A_3 = vector.broadcast %max3A : f32 to vector<1x1024xf32>
    %max3A_4 = arith.maximumf %add3A, %max3A_3 : vector<1x1024xf32>
    %rsqrt3A = math.rsqrt %max3A_4 : vector<1x1024xf32>
    %transpose3A = tpu.transpose %rsqrt3A, [1, 0] : vector<1x1024xf32> -> vector<1024x1xf32>
    %slice3A_5 = vector.extract_strided_slice %get3A_1 {offsets = [2, 0], sizes = [1, 1024], strides = [1, 1]} : vector<4x1024xf32> to vector<1x1024xf32>
    %slice3A_6 = vector.extract_strided_slice %get3A_1 {offsets = [3, 0], sizes = [1, 1024], strides = [1, 1]} : vector<4x1024xf32> to vector<1x1024xf32>
    %add3A_7 = arith.addf %slice3A_5, %slice3A_6 : vector<1x1024xf32>
    %max3A_8 = arith.constant 1.000000e+00 : f32
    %max3A_9 = vector.broadcast %max3A_8 : f32 to vector<1x1024xf32>
    %max3A_10 = arith.maximumf %add3A_7, %max3A_9 : vector<1x1024xf32>
    %rsqrt3A_11 = math.rsqrt %max3A_10 : vector<1x1024xf32>
    %transpose3A_12 = tpu.transpose %rsqrt3A_11, [1, 0] : vector<1x1024xf32> -> vector<1024x1xf32>
    %get3A_13 = arith.constant 0 : index
    %get3A_14 = arith.constant 0 : index
    %get3A_15 = vector.load %arg1[%get3A_13, %get3A_14] : memref<1024x128xf32, #tpu.memory_space<vmem>>, vector<1024x128xf32>
    %get3A_16 = arith.constant 0 : index
    %get3A_17 = arith.constant 0 : index
    %get3A_18 = vector.load %arg2[%get3A_16, %get3A_17] : memref<1024x128xf32, #tpu.memory_space<vmem>>, vector<1024x128xf32>
    %add3A_19 = arith.addf %get3A_15, %get3A_18 : vector<1024x128xf32>
    %mul3A = vector.broadcast %transpose3A_12 : vector<1024x1xf32> to vector<1024x128xf32>
    %mul3A_20 = arith.mulf %add3A_19, %mul3A : vector<1024x128xf32>
    %get3A_21 = arith.constant 0 : index
    %get3A_22 = arith.constant 0 : index
    %get3A_23 = vector.load %arg4[%get3A_21, %get3A_22] : memref<1x128xf32, #tpu.memory_space<vmem>>, vector<1x128xf32>
    %add3A_24 = vector.broadcast %get3A_23 : vector<1x128xf32> to vector<1024x128xf32>
    %add3A_25 = arith.addf %mul3A_20, %add3A_24 : vector<1024x128xf32>
    %swap3A = arith.constant 0 : index
    %swap3A_26 = arith.constant 0 : index
    %swap3A_27 = vector.load %arg6[%swap3A, %swap3A_26] : memref<1024x128xf32, #tpu.memory_space<vmem>>, vector<1024x128xf32>
    tpu.vector_store %arg6[%swap3A, %swap3A_26], %add3A_25 {strides = array<i32>} : memref<1024x128xf32, #tpu.memory_space<vmem>>, vector<1024x128xf32>,
    %max3A_28 = arith.constant 0.000000e+00 : f32
    %max3A_29 = vector.broadcast %max3A_28 : f32 to vector<1024x128xf32>
    %max3A_30 = arith.maximumf %add3A_25, %max3A_29 : vector<1024x128xf32>
    %get3A_31 = arith.constant 0 : index
    %get3A_32 = arith.constant 0 : index
    %get3A_33 = vector.load %arg5[%get3A_31, %get3A_32] : memref<128x64xf32, #tpu.memory_space<vmem>>, vector<128x64xf32>
    %dot_general3A = arith.constant dense<0.000000e+00> : vector<1024x64xf32>
    %dot_general3A_34 = tpu.matmul %max3A_30, %get3A_33, %dot_general3A {dimension_numbers = #tpu.dot_dimension_numbers<[1], [0], [0], [1], [0, 0, 1, 1], [], []>, transpose_lhs_hint = false} : vector<1024x128xf32>, vector<128x64xf32>, vector<1024x64xf32> -> vector<1024x64xf32>
    %mul3A_35 = vector.broadcast %transpose3A : vector<1024x1xf32> to vector<1024x64xf32>
    %mul3A_36 = arith.mulf %dot_general3A_34, %mul3A_35 : vector<1024x64xf32>
    %swap3A_37 = arith.constant 0 : index
    %swap3A_38 = arith.constant 0 : index
    %swap3A_39 = vector.load %arg7[%swap3A_37, %swap3A_38] : memref<1024x64xf32, #tpu.memory_space<vmem>>, vector<1024x64xf32>
    tpu.vector_store %arg7[%swap3A_37, %swap3A_38], %mul3A_36 {strides = array<i32>} : memref<1024x64xf32, #tpu.memory_space<vmem>>, vector<1024x64xf32>,
    return
  }
  func.func @transform_0(%arg0: i32) -> (i32, i32) {
    %c0_i32 = arith.constant 0 : i32
    %c0_i32_0 = arith.constant 0 : i32
    return %arg0, %c0_i32 : i32, i32
  }
  func.func @transform_1(%arg0: i32) -> (i32, i32) {
    %add3A = arith.constant 10 : i32
    %add3A_0 = arith.addi %arg0, %add3A : i32
    %c0_i32 = arith.constant 0 : i32
    %c0_i32_1 = arith.constant 0 : i32
    return %add3A_0, %c0_i32 : i32, i32
  }
  func.func @transform_2(%arg0: i32) -> (i32, i32) {
    %c0_i32 = arith.constant 0 : i32
    %c0_i32_0 = arith.constant 0 : i32
    return %c0_i32, %arg0 : i32, i32
  }
  func.func @transform_3(%arg0: i32) -> (i32, i32) {
    %c0_i32 = arith.constant 0 : i32
    %c0_i32_0 = arith.constant 0 : i32
    %c0_i32_1 = arith.constant 0 : i32
    return %c0_i32, %c0_i32_0 : i32, i32
  }
  func.func @transform_4(%arg0: i32) -> (i32, i32) {
    %c0_i32 = arith.constant 0 : i32
    %c0_i32_0 = arith.constant 0 : i32
    %c0_i32_1 = arith.constant 0 : i32
    return %c0_i32, %c0_i32_0 : i32, i32
  }
  func.func @transform_5(%arg0: i32) -> (i32, i32) {
    %c0_i32 = arith.constant 0 : i32
    %c0_i32_0 = arith.constant 0 : i32
    return %arg0, %c0_i32 : i32, i32
  }
  func.func @transform_6(%arg0: i32) -> (i32, i32) {
    %c0_i32 = arith.constant 0 : i32
    %c0_i32_0 = arith.constant 0 : i32
    return %arg0, %c0_i32 : i32, i32
  }
}

module attributes {stable_mosaic.version = 14 : i64} {
  func.func @_final_body(%arg0: i32, %arg1: memref<1024x64xf32, #tpu.memory_space<vmem>>, %arg2: memref<1024x64xf32, #tpu.memory_space<vmem>>, %arg3: memref<4x1024xf32, #tpu.memory_space<vmem>>, %arg4: memref<1x64xf32, #tpu.memory_space<vmem>>, %arg5: memref<1024x64xf32, #tpu.memory_space<vmem>>) attributes {dimension_semantics = [#tpu.dimension_semantics<arbitrary>], iteration_bounds = array<i64: 10>, scalar_prefetch = 0 : i64, scratch_operands = 0 : i64, tpu.core_type = #tpu.core_type<tc>, window_params = [{transform_indices = @transform_0, window_bounds = array<i64: 1024, 64>}, {transform_indices = @transform_1, window_bounds = array<i64: 1024, 64>}, {transform_indices = @transform_2, window_bounds = array<i64: 4, 1024>}, {pipeline_mode = #tpu.pipeline_mode<synchronous>, transform_indices = @transform_3, window_bounds = array<i64: 1, 64>}, {transform_indices = @transform_4, window_bounds = array<i64: 1024, 64>}]} {
    %get3A = arith.constant 0 : index
    %get3A_0 = arith.constant 0 : index
    %get3A_1 = vector.load %arg3[%get3A, %get3A_0] : memref<4x1024xf32, #tpu.memory_space<vmem>>, vector<4x1024xf32>
    %slice3A = vector.extract_strided_slice %get3A_1 {offsets = [2, 0], sizes = [1, 1024], strides = [1, 1]} : vector<4x1024xf32> to vector<1x1024xf32>
    %slice3A_2 = vector.extract_strided_slice %get3A_1 {offsets = [3, 0], sizes = [1, 1024], strides = [1, 1]} : vector<4x1024xf32> to vector<1x1024xf32>
    %add3A = arith.addf %slice3A, %slice3A_2 : vector<1x1024xf32>
    %max3A = arith.constant 1.000000e+00 : f32
    %max3A_3 = vector.broadcast %max3A : f32 to vector<1x1024xf32>
    %max3A_4 = arith.maximumf %add3A, %max3A_3 : vector<1x1024xf32>
    %rsqrt3A = math.rsqrt %max3A_4 : vector<1x1024xf32>
    %transpose3A = tpu.transpose %rsqrt3A, [1, 0] : vector<1x1024xf32> -> vector<1024x1xf32>
    %get3A_5 = arith.constant 0 : index
    %get3A_6 = arith.constant 0 : index
    %get3A_7 = vector.load %arg1[%get3A_5, %get3A_6] : memref<1024x64xf32, #tpu.memory_space<vmem>>, vector<1024x64xf32>
    %get3A_8 = arith.constant 0 : index
    %get3A_9 = arith.constant 0 : index
    %get3A_10 = vector.load %arg2[%get3A_8, %get3A_9] : memref<1024x64xf32, #tpu.memory_space<vmem>>, vector<1024x64xf32>
    %add3A_11 = arith.addf %get3A_7, %get3A_10 : vector<1024x64xf32>
    %mul3A = vector.broadcast %transpose3A : vector<1024x1xf32> to vector<1024x64xf32>
    %mul3A_12 = arith.mulf %add3A_11, %mul3A : vector<1024x64xf32>
    %get3A_13 = arith.constant 0 : index
    %get3A_14 = arith.constant 0 : index
    %get3A_15 = vector.load %arg4[%get3A_13, %get3A_14] : memref<1x64xf32, #tpu.memory_space<vmem>>, vector<1x64xf32>
    %add3A_16 = vector.broadcast %get3A_15 : vector<1x64xf32> to vector<1024x64xf32>
    %add3A_17 = arith.addf %mul3A_12, %add3A_16 : vector<1024x64xf32>
    %swap3A = arith.constant 0 : index
    %swap3A_18 = arith.constant 0 : index
    %swap3A_19 = vector.load %arg5[%swap3A, %swap3A_18] : memref<1024x64xf32, #tpu.memory_space<vmem>>, vector<1024x64xf32>
    tpu.vector_store %arg5[%swap3A, %swap3A_18], %add3A_17 {strides = array<i32>} : memref<1024x64xf32, #tpu.memory_space<vmem>>, vector<1024x64xf32>,
    return
  }
  func.func @transform_0(%arg0: i32) -> (i32, i32) {
    %c0_i32 = arith.constant 0 : i32
    %c0_i32_0 = arith.constant 0 : i32
    return %arg0, %c0_i32 : i32, i32
  }
  func.func @transform_1(%arg0: i32) -> (i32, i32) {
    %add3A = arith.constant 10 : i32
    %add3A_0 = arith.addi %arg0, %add3A : i32
    %c0_i32 = arith.constant 0 : i32
    %c0_i32_1 = arith.constant 0 : i32
    return %add3A_0, %c0_i32 : i32, i32
  }
  func.func @transform_2(%arg0: i32) -> (i32, i32) {
    %c0_i32 = arith.constant 0 : i32
    %c0_i32_0 = arith.constant 0 : i32
    return %c0_i32, %arg0 : i32, i32
  }
  func.func @transform_3(%arg0: i32) -> (i32, i32) {
    %c0_i32 = arith.constant 0 : i32
    %c0_i32_0 = arith.constant 0 : i32
    %c0_i32_1 = arith.constant 0 : i32
    return %c0_i32, %c0_i32_0 : i32, i32
  }
  func.func @transform_4(%arg0: i32) -> (i32, i32) {
    %c0_i32 = arith.constant 0 : i32
    %c0_i32_0 = arith.constant 0 : i32
    return %arg0, %c0_i32 : i32, i32
  }
}

</mosaic_0001>

<sc_bundles>
// kernel: kernel.12.cloned.1.call-start
scs
__scs_entry_jumppad:
0x0: {  	(pc) =	sbr.rel $0x88, $3  }
0x1: {  	(tag) =	ssettag $0x0;
	lr =	simm.s32 $0x1  }
0x2: {  	[smem:$0x3F9B] =	sst lr;
	_ =	strace $0xD0000000  }
0x3: {  	_ = 	snop  }
0x4: {  	_ = 	snop  }
0x5: {  	_ = 	snop  }
0x6: {  	_ = 	snop  }
0x7: {  	_ = 	snop  }
__scs_overlays_trampoline_lowered:
0x8: {  	[smem:$0x3FAA] =	sst s0  }
0x9: {  	[smem:$0x3FAB] =	sst s1  }
0xa: {  	[smem:$0x3FAC] =	sst s2  }
0xb: {  	[smem:$0x3FAD] =	sst s3  }
0xc: {  	[smem:$0x3FAE] =	sst s4  }
0xd: {  	[smem:$0x3FAF] =	sst s5  }
0xe: {  	[smem:$0x3FB0] =	sst s6  }
0xf: {  	[smem:$0x3FB1] =	sst s7  }
0x10: {  	[smem:$0x3FB2] =	sst s8  }
0x11: {  	[smem:$0x3FB3] =	sst s9;
	s0 =	simm.s32 @!p0 $0x0  }
0x12: {  	s1 =	sld [smem:$0x3F99];
	s0 =	simm.s32 @p0 $0x1  }
0x13: {  	[smem:$0x3FB4] =	sst s0;
	s0 =	simm.s32 @!p1 $0x0  }
0x14: {  	s2 =	sld [smem:$0x3F98];
	s0 =	simm.s32 @p1 $0x1  }
0x15: {  	[smem:$0x3FB5] =	sst s0;
	s0 =	simm.s32 @!p2 $0x0  }
0x16: {  	s3 =	sld [smem:$0x3FDB];
	s0 =	simm.s32 @p2 $0x1  }
0x17: {  	s4 =	simm.s32 $0x1BF5;
	[smem:$0x3FB7] =	sst s0  }
0x18: {  	s0 =	sld [smem:$0x3F9A];
	_ =	swait.ge [sflag:s4], $0x0  }
0x19: {  	s7 =	sld [smem:$0x3F9B]  }
0x1a: {  	s8 =	sadd.s32 $0xFFFFE003, lr  }
0x1b: {  	s9 =	sadd.s32 $0xFFFFFEF7, lr;
	s5 =	simm.s32 $0xFFFFFFFF;
	p2 =	slt.u32 s8, $0xFFFFF086  }
0x1c: {  	p1 =	slt.u32 s9, $0xF7A;
	s5 =	simm.s32 @!p2 $0x0  }
0x1d: {  	s5 =	simm.s32 @p1 $0x1;
	p0 =	seq.s32 s7, s2  }
0x1e: {  	s7 =	smul.u32 @!p0 $0xF7A, s2;
	p2 =	seq.s32 @!p0 s5, $0x0  }
0x1f: {  	s9 =	smul.u32 $0xF7A, s1;
	s8 =	simm.s32 @!p0 $0x1BF5;
	p2 =	por !p2, p0  }
0x20: {  	[sflag:s8] =	ssyncset.s32 @!p0 $0xFFFFF086;
	s6 =	sadd.s32 @!p0 s3, s7;
	s7 =	simm.s32 @!p0 $0x108  }
0x21: {  	s3 =	sadd.s32 s3, s9;
	s6 =	sadd.s32 @!p0 $0x88, s6;
	s7 =	simm.s32 @p2 $0x1082  }
0x22: {  	[simem:s7], [sflag:s8] =	dma.local @!p0 [hbm:s6], $0xF7A  }
0x23: {  	s9 =	sor.u32 $0xD0000000, s2;
	s6 =	simm.s32 $0x108;
	_ =	swait.ge @!p0 [sflag:s8], $0x0  }
0x24: {  	s3 =	sadd.s32 $0x88, s3;
	s6 =	simm.s32 @!p1 $0x1082;
	[sflag:s4] =	ssyncset.s32 $0xFFFFF086  }
0x25: {  	[simem:s6], [sflag:s4] =	dma.local [hbm:s3], $0xF7A  }
0x26: {  	[smem:$0x3F9B] =	sst s1;
	(tag) =	ssettag s2;
	_ =	strace s9  }
0x27: {  	s1 =	sld [smem:$0x3FAB]  }
0x28: {  	s2 =	sld [smem:$0x3FAC]  }
0x29: {  	s4 =	sld [smem:$0x3FAE]  }
0x2a: {  	p0 =	seq.s32 s5, $0x0;
	s5 =	sld [smem:$0x3FAF]  }
0x2b: {  	s6 =	sld [smem:$0x3FB0]  }
0x2c: {  	s7 =	sld [smem:$0x3FB1]  }
0x2d: {  	s3 =	simm.s32 $0x108;
	s8 =	sld [smem:$0x3FB2]  }
0x2e: {  	s3 =	simm.s32 @!p0 $0x1082;
	s9 =	sld [smem:$0x3FB3]  }
0x2f: {  	lr =	sadd.s32 s0, s3;
	s0 =	sld [smem:$0x3FAA]  }
0x30: {  	s3 =	sld [smem:$0x3FAD]  }
0x31: {  	[smem:$0x3FB6] =	sst s10  }
0x32: {  	s10 =	sld [smem:$0x3FB4];
	_ =	sdelay $0x3  }
0x33: {  	p0 =	seq.s32 s10, $0x1;
	s10 =	sld [smem:$0x3FB6];
	_ =	sdelay $0x3  }
0x34: {  	[smem:$0x3FB6] =	sst s10  }
0x35: {  	s10 =	sld [smem:$0x3FB5];
	_ =	sdelay $0x3  }
0x36: {  	p1 =	seq.s32 s10, $0x1;
	s10 =	sld [smem:$0x3FB6];
	_ =	sdelay $0x3  }
0x37: {  	[smem:$0x3FB6] =	sst s10  }
0x38: {  	s10 =	sld [smem:$0x3FB7]  }
0x39: {  	_ = 	snop;
	(pc) =	sbr.ind lr, $3  }
0x3a: {  	_ = 	snop  }
0x3b: {  	_ = 	snop  }
0x3c: {  	p2 =	seq.s32 s10, $0x1;
	s10 =	sld [smem:$0x3FB6]  }
0x3d: {  	_ =	shalt  }
0x3e: {  	_ =	shalt  }
0x3f: {  	_ =	shalt  }
0x40: {  	_ =	shalt  }
0x41: {  	_ =	shalt  }
0x42: {  	_ =	shalt  }
0x43: {  	_ =	shalt  }
0x44: {  	_ =	shalt  }
0x45: {  	_ =	shalt  }
0x46: {  	_ =	shalt  }
0x47: {  	_ =	shalt  }
0x48: {  	_ =	shalt  }
0x49: {  	_ =	shalt  }
0x4a: {  	_ =	shalt  }
0x4b: {  	_ =	shalt  }
0x4c: {  	_ =	shalt  }
0x4d: {  	_ =	shalt  }
0x4e: {  	_ =	shalt  }
0x4f: {  	_ =	shalt  }
0x50: {  	_ =	shalt  }
0x51: {  	_ =	shalt  }
0x52: {  	_ =	shalt  }
0x53: {  	_ =	shalt  }
0x54: {  	_ =	shalt  }
0x55: {  	_ =	shalt  }
0x56: {  	_ =	shalt  }
0x57: {  	_ =	shalt  }
0x58: {  	_ =	shalt  }
0x59: {  	_ =	shalt  }
0x5a: {  	_ =	shalt  }
0x5b: {  	_ =	shalt  }
0x5c: {  	_ =	shalt  }
0x5d: {  	_ =	shalt  }
0x5e: {  	_ =	shalt  }
0x5f: {  	_ =	shalt  }
0x60: {  	_ =	shalt  }
0x61: {  	_ =	shalt  }
0x62: {  	_ =	shalt  }
0x63: {  	_ =	shalt  }
0x64: {  	_ =	shalt  }
0x65: {  	_ =	shalt  }
0x66: {  	_ =	shalt  }
0x67: {  	_ =	shalt  }
0x68: {  	_ =	shalt  }
0x69: {  	_ =	shalt  }
0x6a: {  	_ =	shalt  }
0x6b: {  	_ =	shalt  }
0x6c: {  	_ =	shalt  }
0x6d: {  	_ =	shalt  }
0x6e: {  	_ =	shalt  }
0x6f: {  	_ =	shalt  }
0x70: {  	_ =	shalt  }
0x71: {  	_ =	shalt  }
0x72: {  	_ =	shalt  }
0x73: {  	_ =	shalt  }
0x74: {  	_ =	shalt  }
0x75: {  	_ =	shalt  }
0x76: {  	_ =	shalt  }
0x77: {  	_ =	shalt  }
0x78: {  	_ =	shalt  }
0x79: {  	_ =	shalt  }
0x7a: {  	_ =	shalt  }
0x7b: {  	_ =	shalt  }
0x7c: {  	_ =	shalt  }
0x7d: {  	_ =	shalt  }
0x7e: {  	_ =	shalt  }
0x7f: {  	_ =	shalt  }
0x80: {  	_ =	shalt  }
0x81: {  	_ =	shalt  }
0x82: {  	_ =	shalt  }
0x83: {  	_ =	shalt  }
0x84: {  	_ =	shalt  }
0x85: {  	_ =	shalt  }
0x86: {  	_ =	shalt  }
0x87: {  	_ =	shalt  }
.Lfunc_end0:
.L_simem_size_0:
called_computation.1_lowered:
.L_overlay_start_0:
0x88: {  	s2 =	sld [smem:$0x3FD9]  }
0x89: {  	s3 =	sld [smem:$0x3FFE];
	_ =	sdelay $0x1  }
0x8a: {  	s1 =	srdreg.scid  }
0x8b: {  	s0 =	sand.u32 $0x1, s1  }
0x8c: {  	s14 =	sshll.u32 s0, $0xA;
	s2 =	sadd.s32 s3, s2  }
0x8d: {  	s2 =	sadd.s32 s2, s14  }
0x8e: {  	[smem:$0x3FC2] =	sst s2  }
0x8f: {  	_ = 	snop  }
0x90: {  	s2 =	sld [smem:$0x3FD0];
	_ =	sdelay $0x2  }
0x91: {  	s15 =	simm.s32 $0xA;
	s4 =	simm.s32 $0x10  }
0x92: {  	[smem:s4], [sflag:s15] =	dma.local [hbm:s2], $0x1  }
0x93: {  	_ =	swait.eq [sflag:s15], $0x1  }
0x94: {  	[sflag:s15] =	ssyncset.done $0x0  }
0x95: {  	s16 =	sld [smem:$0x10];
	[sflag:s15] =	ssyncadd.s32 $0xFFFFFFFF  }
0x96: {  	s17 =	sld [smem:$0x11];
	(tm) =	ssettm $0x1  }
0x97: {  	s18 =	sld [smem:$0x3FFB];
	_ =	sdelay $0x3  }
0x98: {  	_ =	strace s18  }
0x99: {  	s4 =	sld [smem:$0x3FFC];
	_ =	sdelay $0x3  }
0x9a: {  	_ =	strace s4  }
0x9b: {  	s4 =	sld [smem:$0x3FFD];
	_ =	sdelay $0x3  }
0x9c: {  	_ =	strace s4  }
0x9d: {  	_ =	strace $0x8FFFFFFF  }
0x9e: {  	s19 =	sld [smem:$0x3FDB];
	_ =	sdelay $0x1  }
0x9f: {  	s5 =	simm.s32 $_scs_section_size  }
0xa0: {  	s6 =	simm.s32 $_size__tile_overlayer_lowered;
	s7 =	simm.s32 $_tile_overlayer_lowered  }
0xa1: {  	s22 =	simm.s32 $0x1BFF;
	s21 =	sshll.u32 s7, $0x1;
	s4 =	sadd.s32 s5, s19  }
0xa2: {  	s8 =	simm.s32 $0x0;
	s20 =	sshll.u32 s6, $0x1;
	s6 =	sadd.s32 s21, s4  }
0xa3: {  	[timem:s8], [sflag:s22] =	dma.local [hbm:s6], s20  }
0xa4: {  	_ =	swait.ge [sflag:s22], s20  }
0xa5: {  	s5 =	ssub.s32 $0x0, s20;
	[sflag:s22] =	ssyncset.done $0x0  }
0xa6: {  	[sflag:s22] =	ssyncadd.s32 s5;
	_ =	sdelay $0x1  }
0xa7: {  	s23 =	simm.s32 $0x1B8B  }
0xa8: {  	_ =	swait.ge [sflag:s23], $0x1  }
0xa9: {  	[sflag:s23] =	ssyncset.done $0x0  }
0xaa: {  	s25 =	simm.s32 $0x1B8E;
	s24 =	sld [smem:$0x3FFE];
	[sflag:s23] =	ssyncadd.s32 $0xFFFFFFFF  }
0xab: {  	s26 =	simm.s32 $execute0_lowered;
	[smem:$0x3FD2] =	sst s25  }
0xac: {  	s6 =	sshll.u32 s26, $0x1;
	_ =	strace $0x80000049;
	[dreg:$0x1] =	wrdreg $0xFFFFFFFF  }
0xad: {  	s28 =	simm.s32 $_size_execute0_lowered;
	s4 =	sadd.s32 s4, s6;
	[dreg:$0x0] =	wrdreg $0x0  }
0xae: {  	s6 =	sshll.u32 s28, $0x1;
	[dreg:$0x2] =	wrdreg s4  }
0xaf: {  	[dreg:$0x3] =	wrdreg s6  }
0xb0: {  	[dreg:$0x4] =	wrdreg $0xC0  }
0xb1: {  	_ =	task [dreg:s8], $0x5FFFF  }
0xb2: {  	[dreg:$0x1] =	wrdreg $0xFFFFFFFF  }
0xb3: {  	[dreg:$0x0] =	wrdreg $0x60  }
0xb4: {  	[dreg:$0x2] =	wrdreg s24  }
0xb5: {  	[dreg:$0x3] =	wrdreg s17  }
0xb6: {  	[dreg:$0x4] =	wrdreg s16  }
0xb7: {  	[dreg:$0x5] =	wrdreg $0x82000  }
0xb8: {  	[dreg:$0x6] =	wrdreg $0x9  }
0xb9: {  	_ =	task.clear_ibuf [dreg:s8], $0x7FFFF;
	_ =	strace $0x90000049  }
0xba: {  	s29 =	simm.s32 $0x9;
	_ =	strace $0x8000004B  }
0xbb: {  	_ =	swait.ge [sflag:s29], $0x1  }
0xbc: {  	[sflag:s29] =	ssyncadd.s32 $0xFFFFFFFF  }
0xbd: {  	_ =	strace $0x9000004B  }
0xbe: {  	_ =	sfence  }
0xbf: {  	s30 =	sld [smem:$0x0];
	_ =	sdelay $0x2  }
0xc0: {  	s31 =	sshll.u32 s1, $0xD;
	s1 =	sshrl.u32 s1, $0x2  }
0xc1: {  	s3 =	sand.u32 $0x4000, s31;
	s1 =	sadd.s32 s1, s30  }
0xc2: {  	s0 =	sor.u32 s3, s0;
	s1 =	sshll.u32 s1, $0x11  }
0xc3: {  	s0 =	sor.u32 s1, s0  }
0xc4: {  	s0 =	sadd.s32 $0x8F2B, s0  }
0xc5: {  	[sflag:s0] =	ssyncadd.remote.s32 $0x1  }
0xc6: {  	_ =	sfence.sel $0xFFFF  }
0xc7: {  	[dreg:$0x0] =	wrdreg $0xFFFFFFFF;
	(pc) =	sbr.abs _section_cstart, $3  }
0xc8: {  	[dreg:$0x1] =	wrdreg $0xFFFFFFFF  }
0xc9: {  	_ =	task.clear_ibuf [dreg:s8], $0x2FFFF;
	_ =	strace $0x9FFFFFFF  }
0xca: {  	(tm) =	ssettm $0x7FFFFFFF  }
0xcb: {  	_ =	shalt  }
tec
execute0_lowered:
.L_overlay_start_1:
0x0: {  	(tag) =	ssettag $0x1  }
0x1: {  	s6 =	rddreg [dreg:$0x0]  }
0x2: {  	s10 =	rddreg [dreg:$0x1]  }
0x3: {  	s2 =	rddreg [dreg:$0x2]  }
0x4: {  	s1 =	srdreg.scid;
	s0 =	stileid.u32  }
0x5: {  	s3 =	rddreg [dreg:$0x3];
	s4 =	simm.s32 $0x0;
	s15 =	simm.s32 $0x100  }
0x6: {  	s16 =	simm.s32 $0x1;
	s17 =	simm.s32 $0x80;
	s18 =	simm.s32 $0x200  }
0x7: {  	s19 =	simm.s32 $0x2;
	s20 =	simm.s32 $0x3;
	s21 =	simm.s32 $0x4200  }
0x8: {  	s22 =	simm.s32 $0x4;
	s23 =	simm.s32 $0x180;
	s5 =	smul.u32 $0x2800, s0  }
0x9: {  	s7 =	sand.u32 $0x1, s1;
	s1 =	rddreg [dreg:$0x4];
	s25 =	smul.u32 $0x50000, s0  }
0xa: {  	s24 =	simm.s32 $0x0;
	[smem:$0x7FF] =	sst s4;
	s13 =	smul.u32 $0x50, s0  }
0xb: {  	s29 =	sshll.u32 s0, $0x6;
	s8 =	smul.u32 $0x28000, s7;
	_ =	strace $0x8000004A  }
0xc: {  	s26 =	ssub.s32 $0x2, s7;
	s11 =	sshll.u32 s7, $0x4;
	s7 =	smul.u32 $0x500, s7  }
0xd: {  	s12 =	sshrl.u32 s26, $0x1;
	s11 =	sor.u32 s0, s11;
	s8 =	sadd.s32 s5, s8  }
0xe: {  	s5 =	sadd.s32 $0x2400, s6;
	s12 =	ssub.s32 s26, s12;
	s28 =	smul.u32 $0xA00, s11  }
0xf: {  	s30 =	sadd.s32 s13, s7;
	s9 =	sadd.s32 s8, s6;
	s6 =	sshrl.u32 s25, $0x2  }
0x10: {  	s11 =	sshll.u32 s30, $0x5;
	s14 =	sadd.s32 s6, s3;
	s6 =	sor.u32 $0x1C05, s29  }
0x11: {  	s7 =	sadd.s32 s10, s28;
	s9 =	sadd.s32 $0x2A400, s9;
	s31 =	sadd.s32 s11, s10  }
0x12: {  	s10 =	smax.u32 s12, $0x1;
	s8 =	sadd.s32 $0x20, s7;
	s11 =	sadd.s32 $0x60, s31  }
0x13: {  	s12 =	sadd.s32 $0x40, s31;
	s13 =	sshrl.u32 s14, $0x3;
	s14 =	simm.s32 $0x5  }
.LBB2_1:
0x14: {  	[spmem:s13], [sflag:s6] =	dma.local [hbm:s2], $0x2800  }
0x15: {  	_ =	swait.ge [sflag:s14], $0x2800  }
0x16: {  	[sflag:s14] =	ssyncset.done $0x0  }
0x17: {  	[sflag:s14] =	ssyncadd.s32 $0xFFFFD800  }
0x18: {  	[bflag:$0x0] =	sbarrier.arrive $0xFFFF  }
0x19: {  	[tilespmem:s4], [sflag:$0x1] =	stream.linear.gather [hbm4b:s7+s4], $0x100, $0x38;
	[tilespmem:$0x1C200] =	vst v63  }
0x1a: {  	_ = 	snop  }
0x1b: {  	[tilespmem:s15], [sflag:$0x2] =	stream.linear.gather [hbm4b:s8+s4], $0x100, $0x38;
	[tilespmem:$0x1C200] =	vst v63  }
0x1c: {  	_ =	swait.ge [sflag:s16], $0x100  }
0x1d: {  	[sflag:s16] =	ssyncset.done $0x0  }
0x1e: {  	[sflag:s16] =	ssyncadd.s32 $0xFFFFFF00  }
0x1f: {  	[tilespmem:s18], [sflag:$0x3] =	stream.indirect.gather [hbm4b:s5+s17], $0x80, s4, s17, $0xb8;
	[tilespmem:$0x1C200] =	vst v63  }
0x20: {  	_ =	swait.ge [sflag:s19], $0x100  }
0x21: {  	[sflag:s19] =	ssyncset.done $0x0  }
0x22: {  	[sflag:s19] =	ssyncadd.s32 $0xFFFFFF00  }
0x23: {  	_ =	swait.ge [sflag:s20], $0x4000  }
0x24: {  	[sflag:s20] =	ssyncset.done $0x0  }
0x25: {  	[sflag:s20] =	ssyncadd.s32 $0xFFFFC000  }
0x26: {  	[tilespmem:s21], [sflag:$0x4] =	stream.indirect.gather [hbm4b:s5+s17], $0x80, s15, s17, $0xb8;
	[tilespmem:$0x1C200] =	vst v63  }
0x27: {  	_ = 	snop  }
0x28: {  	[spmem:s3] =	stream.indirect.scatter.add.f32 [tilespmem:s18], [sflag:$0x5], $0x80, s17, s17, $0xb8;
	[tilespmem:$0x1C200] =	vst v63  }
0x29: {  	_ =	swait.ge [sflag:s14], $0x4000  }
0x2a: {  	[sflag:s14] =	ssyncset.done $0x0  }
0x2b: {  	s25 =	sadd.s32 $0x0, s12;
	[sflag:s14] =	ssyncadd.s32 $0xFFFFC000  }
0x2c: {  	[tilespmem:s4], [sflag:$0x1] =	stream.linear.gather [hbm4b:s25+s4], $0x100, $0x38;
	[tilespmem:$0x1C200] =	vst v63  }
0x2d: {  	_ =	swait.ge [sflag:s16], $0x100  }
0x2e: {  	[sflag:s16] =	ssyncset.done $0x0  }
0x2f: {  	[sflag:s16] =	ssyncadd.s32 $0xFFFFFF00  }
0x30: {  	_ =	swait.ge [sflag:s22], $0x4000  }
0x31: {  	[sflag:s22] =	ssyncset.done $0x0  }
0x32: {  	[sflag:s22] =	ssyncadd.s32 $0xFFFFC000  }
0x33: {  	[tilespmem:s18], [sflag:$0x3] =	stream.indirect.gather [hbm4b:s5+s17], $0x80, s4, s17, $0xb8;
	[tilespmem:$0x1C200] =	vst v63  }
0x34: {  	_ = 	snop  }
0x35: {  	[spmem:s3] =	stream.indirect.scatter.add.f32 [tilespmem:s21], [sflag:$0x5], $0x80, s23, s17, $0xb8;
	[tilespmem:$0x1C200] =	vst v63  }
0x36: {  	_ =	swait.ge [sflag:s14], $0x4000  }
0x37: {  	[sflag:s14] =	ssyncset.done $0x0  }
0x38: {  	s26 =	sadd.s32 $0x0, s11;
	s25 =	simm.s32 $0x40;
	[sflag:s14] =	ssyncadd.s32 $0xFFFFC000  }
.LBB2_2:
0x39: {  	[tilespmem:s15], [sflag:$0x2] =	stream.linear.gather [hbm4b:s26+s4], $0x100, $0x38;
	[tilespmem:$0x1C200] =	vst v63  }
0x3a: {  	s26 =	smov.u32 s25  }
0x3b: {  	p0 =	sne.s32 s25, $0x980;
	s25 =	sadd.s32 $0x40, s25;
	_ =	swait.ge [sflag:s19], $0x100  }
0x3c: {  	[sflag:s19] =	ssyncset.done $0x0  }
0x3d: {  	[sflag:s19] =	ssyncadd.s32 $0xFFFFFF00  }
0x3e: {  	_ =	swait.ge [sflag:s20], $0x4000  }
0x3f: {  	[sflag:s20] =	ssyncset.done $0x0  }
0x40: {  	[sflag:s20] =	ssyncadd.s32 $0xFFFFC000  }
0x41: {  	[tilespmem:s21], [sflag:$0x4] =	stream.indirect.gather [hbm4b:s5+s17], $0x80, s15, s17, $0xb8;
	[tilespmem:$0x1C200] =	vst v63  }
0x42: {  	_ = 	snop  }
0x43: {  	[spmem:s3] =	stream.indirect.scatter.add.f32 [tilespmem:s18], [sflag:$0x5], $0x80, s17, s17, $0xb8;
	[tilespmem:$0x1C200] =	vst v63  }
0x44: {  	_ =	swait.ge [sflag:s14], $0x4000  }
0x45: {  	[sflag:s14] =	ssyncset.done $0x0  }
0x46: {  	s28 =	sadd.s32 s26, s12;
	[sflag:s14] =	ssyncadd.s32 $0xFFFFC000  }
0x47: {  	[tilespmem:s4], [sflag:$0x1] =	stream.linear.gather [hbm4b:s28+s4], $0x100, $0x38;
	[tilespmem:$0x1C200] =	vst v63  }
0x48: {  	_ =	swait.ge [sflag:s16], $0x100  }
0x49: {  	[sflag:s16] =	ssyncset.done $0x0  }
0x4a: {  	[sflag:s16] =	ssyncadd.s32 $0xFFFFFF00  }
0x4b: {  	_ =	swait.ge [sflag:s22], $0x4000  }
0x4c: {  	[sflag:s22] =	ssyncset.done $0x0  }
0x4d: {  	[sflag:s22] =	ssyncadd.s32 $0xFFFFC000  }
0x4e: {  	[tilespmem:s18], [sflag:$0x3] =	stream.indirect.gather [hbm4b:s5+s17], $0x80, s4, s17, $0xb8;
	[tilespmem:$0x1C200] =	vst v63  }
.Ltmp0:
0x4f: {  	(pc) =	sbr.rel @p0 .LBB2_2-.Ltmp0, $4  }
0x50: {  	[spmem:s3] =	stream.indirect.scatter.add.f32 [tilespmem:s21], [sflag:$0x5], $0x80, s23, s17, $0xb8;
	[tilespmem:$0x1C200] =	vst v63  }
0x51: {  	_ =	swait.ge [sflag:s14], $0x4000  }
0x52: {  	[sflag:s14] =	ssyncset.done $0x0  }
0x53: {  	s26 =	sadd.s32 s26, s11;
	[sflag:s14] =	ssyncadd.s32 $0xFFFFC000  }
0x54: {  	[tilespmem:s15], [sflag:$0x2] =	stream.linear.gather [hbm4b:s26+s4], $0x100, $0x38;
	[tilespmem:$0x1C200] =	vst v63  }
0x55: {  	_ =	swait.ge [sflag:s19], $0x100  }
0x56: {  	[sflag:s19] =	ssyncset.done $0x0  }
0x57: {  	[sflag:s19] =	ssyncadd.s32 $0xFFFFFF00  }
0x58: {  	_ =	swait.ge [sflag:s20], $0x4000  }
0x59: {  	[sflag:s20] =	ssyncset.done $0x0  }
0x5a: {  	[sflag:s20] =	ssyncadd.s32 $0xFFFFC000  }
0x5b: {  	[tilespmem:s21], [sflag:$0x4] =	stream.indirect.gather [hbm4b:s5+s17], $0x80, s15, s17, $0xb8;
	[tilespmem:$0x1C200] =	vst v63  }
0x5c: {  	_ = 	snop  }
0x5d: {  	[spmem:s3] =	stream.indirect.scatter.add.f32 [tilespmem:s18], [sflag:$0x5], $0x80, s17, s17, $0xb8;
	[tilespmem:$0x1C200] =	vst v63  }
0x5e: {  	_ =	swait.ge [sflag:s14], $0x4000  }
0x5f: {  	[sflag:s14] =	ssyncset.done $0x0  }
0x60: {  	[sflag:s14] =	ssyncadd.s32 $0xFFFFC000  }
0x61: {  	[tilespmem:s4], [sflag:$0x1] =	stream.linear.gather [hbm4b:s7+s4], $0x100, $0x38;
	[tilespmem:$0x1C200] =	vst v63  }
0x62: {  	_ =	swait.ge [sflag:s16], $0x100  }
0x63: {  	[sflag:s16] =	ssyncset.done $0x0  }
0x64: {  	[sflag:s16] =	ssyncadd.s32 $0xFFFFFF00  }
0x65: {  	_ =	swait.ge [sflag:s22], $0x4000  }
0x66: {  	[sflag:s22] =	ssyncset.done $0x0  }
0x67: {  	[sflag:s22] =	ssyncadd.s32 $0xFFFFC000  }
0x68: {  	[tilespmem:s18], [sflag:$0x3] =	stream.indirect.gather [hbm4b:s5+s17], $0x80, s4, s17, $0xb8;
	[tilespmem:$0x1C200] =	vst v63  }
0x69: {  	_ = 	snop  }
0x6a: {  	[spmem:s3] =	stream.indirect.scatter.add.f32 [tilespmem:s21], [sflag:$0x5], $0x80, s23, s17, $0xb8;
	[tilespmem:$0x1C200] =	vst v63  }
0x6b: {  	_ =	swait.ge [sflag:s14], $0x4000  }
0x6c: {  	[sflag:s14] =	ssyncset.done $0x0  }
0x6d: {  	[sflag:s14] =	ssyncadd.s32 $0xFFFFC000  }
0x6e: {  	[tilespmem:s15], [sflag:$0x2] =	stream.linear.gather [hbm4b:s8+s4], $0x100, $0x38;
	[tilespmem:$0x1C200] =	vst v63  }
0x6f: {  	_ =	swait.ge [sflag:s19], $0x100  }
0x70: {  	[sflag:s19] =	ssyncset.done $0x0  }
0x71: {  	[sflag:s19] =	ssyncadd.s32 $0xFFFFFF00  }
0x72: {  	_ =	swait.ge [sflag:s20], $0x4000  }
0x73: {  	s24 =	sadd.s32 $0x1, s24;
	[sflag:s20] =	ssyncset.done $0x0  }
0x74: {  	p0 =	sne.s32 s24, s10;
	[sflag:s20] =	ssyncadd.s32 $0xFFFFC000  }
.Ltmp1:
0x75: {  	[bflag:$0x0] =	sbarrier.arrive $0xFFFF;
	(pc) =	sbr.rel @p0 .LBB2_1-.Ltmp1, $4  }
0x76: {  	[hbm:s9], [sflag:s6] =	dma.local [spmem:s13], $0x2800  }
0x77: {  	_ =	swait.ge [sflag:s14], $0x2800  }
0x78: {  	[sflag:s14] =	ssyncset.done $0x0  }
0x79: {  	[sflag:s14] =	ssyncadd.s32 $0xFFFFD800  }
0x7a: {  	_ =	sfence.sel $0x180000  }
0x7b: {  	[bflag:$0x0] =	sbarrier.arrive $0xFFFF  }
0x7c: {  	p0 =	sne.s32 s0, $0x0;
	_ =	strace $0x9000004A  }
0x7d: {  	s0 =	sadd.s32 @!p0 $0x100000, s1;
	[bflag:$0x2] =	sbarrier.arrive $0xFFFF  }
0x7e: {  	[sflag:s0] =	ssyncadd.tile.s32 @!p0 $0x1;
	_ =	shalt  }
.Lfunc_end2:
_tile_overlayer_lowered:
.L_overlay_start_2:
0x7f: {  	(tag) =	ssettag $0x2  }
0x80: {  	s0 =	rddreg [dreg:$0x0];
	s2 =	stileid.u32  }
0x81: {  	s1 =	rddreg [dreg:$0x1];
	p0 =	sne.s32 s2, $0x0  }
0x82: {  	s3 =	rddreg [dreg:$0x2];
	[bflag:$0x3] =	sbarrier.arrive $0xFFFF;
	s2 =	simm.s32 @!p0 $0x1C05  }
0x83: {  	[timem:s3], [sflag:s2] =	dma.local @!p0 [hbm:s0], s1  }
0x84: {  	s0 =	simm.s32 @!p0 $0x5  }
0x85: {  	_ =	swait.ge @!p0 [sflag:s0], s1  }
0x86: {  	s1 =	ssub.s32 @!p0 $0x0, s1;
	[sflag:s0] =	ssyncset.done @!p0 $0x0  }
0x87: {  	[sflag:s0] =	ssyncadd.s32 @!p0 s1  }
0x88: {  	[bflag:$0x3] =	sbarrier.arrive $0xFFFF  }
0x89: {  	_ =	shalt  }

// kernel: kernel.15.cloned.1.call-start
scs
__scs_entry_jumppad:
0x0: {  	(pc) =	sbr.rel $0x88, $3  }
0x1: {  	(tag) =	ssettag $0x0;
	lr =	simm.s32 $0x1  }
0x2: {  	[smem:$0x3F9B] =	sst lr;
	_ =	strace $0xD0000000  }
0x3: {  	_ = 	snop  }
0x4: {  	_ = 	snop  }
0x5: {  	_ = 	snop  }
0x6: {  	_ = 	snop  }
0x7: {  	_ = 	snop  }
__scs_overlays_trampoline_lowered:
0x8: {  	[smem:$0x3FAA] =	sst s0  }
0x9: {  	[smem:$0x3FAB] =	sst s1  }
0xa: {  	[smem:$0x3FAC] =	sst s2  }
0xb: {  	[smem:$0x3FAD] =	sst s3  }
0xc: {  	[smem:$0x3FAE] =	sst s4  }
0xd: {  	[smem:$0x3FAF] =	sst s5  }
0xe: {  	[smem:$0x3FB0] =	sst s6  }
0xf: {  	[smem:$0x3FB1] =	sst s7  }
0x10: {  	[smem:$0x3FB2] =	sst s8  }
0x11: {  	[smem:$0x3FB3] =	sst s9;
	s0 =	simm.s32 @!p0 $0x0  }
0x12: {  	s1 =	sld [smem:$0x3F99];
	s0 =	simm.s32 @p0 $0x1  }
0x13: {  	[smem:$0x3FB4] =	sst s0;
	s0 =	simm.s32 @!p1 $0x0  }
0x14: {  	s2 =	sld [smem:$0x3F98];
	s0 =	simm.s32 @p1 $0x1  }
0x15: {  	[smem:$0x3FB5] =	sst s0;
	s0 =	simm.s32 @!p2 $0x0  }
0x16: {  	s3 =	sld [smem:$0x3FDB];
	s0 =	simm.s32 @p2 $0x1  }
0x17: {  	s4 =	simm.s32 $0x1BF5;
	[smem:$0x3FB7] =	sst s0  }
0x18: {  	s0 =	sld [smem:$0x3F9A];
	_ =	swait.ge [sflag:s4], $0x0  }
0x19: {  	s7 =	sld [smem:$0x3F9B]  }
0x1a: {  	s8 =	sadd.s32 $0xFFFFE003, lr  }
0x1b: {  	s9 =	sadd.s32 $0xFFFFFEF7, lr;
	s5 =	simm.s32 $0xFFFFFFFF;
	p2 =	slt.u32 s8, $0xFFFFF086  }
0x1c: {  	p1 =	slt.u32 s9, $0xF7A;
	s5 =	simm.s32 @!p2 $0x0  }
0x1d: {  	s5 =	simm.s32 @p1 $0x1;
	p0 =	seq.s32 s7, s2  }
0x1e: {  	s7 =	smul.u32 @!p0 $0xF7A, s2;
	p2 =	seq.s32 @!p0 s5, $0x0  }
0x1f: {  	s9 =	smul.u32 $0xF7A, s1;
	s8 =	simm.s32 @!p0 $0x1BF5;
	p2 =	por !p2, p0  }
0x20: {  	[sflag:s8] =	ssyncset.s32 @!p0 $0xFFFFF086;
	s6 =	sadd.s32 @!p0 s3, s7;
	s7 =	simm.s32 @!p0 $0x108  }
0x21: {  	s3 =	sadd.s32 s3, s9;
	s6 =	sadd.s32 @!p0 $0x88, s6;
	s7 =	simm.s32 @p2 $0x1082  }
0x22: {  	[simem:s7], [sflag:s8] =	dma.local @!p0 [hbm:s6], $0xF7A  }
0x23: {  	s9 =	sor.u32 $0xD0000000, s2;
	s6 =	simm.s32 $0x108;
	_ =	swait.ge @!p0 [sflag:s8], $0x0  }
0x24: {  	s3 =	sadd.s32 $0x88, s3;
	s6 =	simm.s32 @!p1 $0x1082;
	[sflag:s4] =	ssyncset.s32 $0xFFFFF086  }
0x25: {  	[simem:s6], [sflag:s4] =	dma.local [hbm:s3], $0xF7A  }
0x26: {  	[smem:$0x3F9B] =	sst s1;
	(tag) =	ssettag s2;
	_ =	strace s9  }
0x27: {  	s1 =	sld [smem:$0x3FAB]  }
0x28: {  	s2 =	sld [smem:$0x3FAC]  }
0x29: {  	s4 =	sld [smem:$0x3FAE]  }
0x2a: {  	p0 =	seq.s32 s5, $0x0;
	s5 =	sld [smem:$0x3FAF]  }
0x2b: {  	s6 =	sld [smem:$0x3FB0]  }
0x2c: {  	s7 =	sld [smem:$0x3FB1]  }
0x2d: {  	s3 =	simm.s32 $0x108;
	s8 =	sld [smem:$0x3FB2]  }
0x2e: {  	s3 =	simm.s32 @!p0 $0x1082;
	s9 =	sld [smem:$0x3FB3]  }
0x2f: {  	lr =	sadd.s32 s0, s3;
	s0 =	sld [smem:$0x3FAA]  }
0x30: {  	s3 =	sld [smem:$0x3FAD]  }
0x31: {  	[smem:$0x3FB6] =	sst s10  }
0x32: {  	s10 =	sld [smem:$0x3FB4];
	_ =	sdelay $0x3  }
0x33: {  	p0 =	seq.s32 s10, $0x1;
	s10 =	sld [smem:$0x3FB6];
	_ =	sdelay $0x3  }
0x34: {  	[smem:$0x3FB6] =	sst s10  }
0x35: {  	s10 =	sld [smem:$0x3FB5];
	_ =	sdelay $0x3  }
0x36: {  	p1 =	seq.s32 s10, $0x1;
	s10 =	sld [smem:$0x3FB6];
	_ =	sdelay $0x3  }
0x37: {  	[smem:$0x3FB6] =	sst s10  }
0x38: {  	s10 =	sld [smem:$0x3FB7]  }
0x39: {  	_ = 	snop;
	(pc) =	sbr.ind lr, $3  }
0x3a: {  	_ = 	snop  }
0x3b: {  	_ = 	snop  }
0x3c: {  	p2 =	seq.s32 s10, $0x1;
	s10 =	sld [smem:$0x3FB6]  }
0x3d: {  	_ =	shalt  }
0x3e: {  	_ =	shalt  }
0x3f: {  	_ =	shalt  }
0x40: {  	_ =	shalt  }
0x41: {  	_ =	shalt  }
0x42: {  	_ =	shalt  }
0x43: {  	_ =	shalt  }
0x44: {  	_ =	shalt  }
0x45: {  	_ =	shalt  }
0x46: {  	_ =	shalt  }
0x47: {  	_ =	shalt  }
0x48: {  	_ =	shalt  }
0x49: {  	_ =	shalt  }
0x4a: {  	_ =	shalt  }
0x4b: {  	_ =	shalt  }
0x4c: {  	_ =	shalt  }
0x4d: {  	_ =	shalt  }
0x4e: {  	_ =	shalt  }
0x4f: {  	_ =	shalt  }
0x50: {  	_ =	shalt  }
0x51: {  	_ =	shalt  }
0x52: {  	_ =	shalt  }
0x53: {  	_ =	shalt  }
0x54: {  	_ =	shalt  }
0x55: {  	_ =	shalt  }
0x56: {  	_ =	shalt  }
0x57: {  	_ =	shalt  }
0x58: {  	_ =	shalt  }
0x59: {  	_ =	shalt  }
0x5a: {  	_ =	shalt  }
0x5b: {  	_ =	shalt  }
0x5c: {  	_ =	shalt  }
0x5d: {  	_ =	shalt  }
0x5e: {  	_ =	shalt  }
0x5f: {  	_ =	shalt  }
0x60: {  	_ =	shalt  }
0x61: {  	_ =	shalt  }
0x62: {  	_ =	shalt  }
0x63: {  	_ =	shalt  }
0x64: {  	_ =	shalt  }
0x65: {  	_ =	shalt  }
0x66: {  	_ =	shalt  }
0x67: {  	_ =	shalt  }
0x68: {  	_ =	shalt  }
0x69: {  	_ =	shalt  }
0x6a: {  	_ =	shalt  }
0x6b: {  	_ =	shalt  }
0x6c: {  	_ =	shalt  }
0x6d: {  	_ =	shalt  }
0x6e: {  	_ =	shalt  }
0x6f: {  	_ =	shalt  }
0x70: {  	_ =	shalt  }
0x71: {  	_ =	shalt  }
0x72: {  	_ =	shalt  }
0x73: {  	_ =	shalt  }
0x74: {  	_ =	shalt  }
0x75: {  	_ =	shalt  }
0x76: {  	_ =	shalt  }
0x77: {  	_ =	shalt  }
0x78: {  	_ =	shalt  }
0x79: {  	_ =	shalt  }
0x7a: {  	_ =	shalt  }
0x7b: {  	_ =	shalt  }
0x7c: {  	_ =	shalt  }
0x7d: {  	_ =	shalt  }
0x7e: {  	_ =	shalt  }
0x7f: {  	_ =	shalt  }
0x80: {  	_ =	shalt  }
0x81: {  	_ =	shalt  }
0x82: {  	_ =	shalt  }
0x83: {  	_ =	shalt  }
0x84: {  	_ =	shalt  }
0x85: {  	_ =	shalt  }
0x86: {  	_ =	shalt  }
0x87: {  	_ =	shalt  }
.Lfunc_end0:
.L_simem_size_0:
called_computation.2_lowered:
.L_overlay_start_0:
0x88: {  	s2 =	sld [smem:$0x3FD9]  }
0x89: {  	s3 =	sld [smem:$0x3FFE];
	_ =	sdelay $0x1  }
0x8a: {  	s1 =	srdreg.scid  }
0x8b: {  	s0 =	sand.u32 $0x1, s1  }
0x8c: {  	s14 =	sshll.u32 s0, $0xA;
	s2 =	sadd.s32 s3, s2  }
0x8d: {  	s2 =	sadd.s32 s2, s14  }
0x8e: {  	[smem:$0x3FC2] =	sst s2  }
0x8f: {  	_ = 	snop  }
0x90: {  	s2 =	sld [smem:$0x3FD0];
	_ =	sdelay $0x2  }
0x91: {  	s15 =	simm.s32 $0xA;
	s4 =	simm.s32 $0x10  }
0x92: {  	[smem:s4], [sflag:s15] =	dma.local [hbm:s2], $0x1  }
0x93: {  	_ =	swait.eq [sflag:s15], $0x1  }
0x94: {  	[sflag:s15] =	ssyncset.done $0x0  }
0x95: {  	[sflag:s15] =	ssyncadd.s32 $0xFFFFFFFF  }
0x96: {  	s16 =	sld [smem:$0x10];
	(tm) =	ssettm $0x1  }
0x97: {  	s17 =	sld [smem:$0x3FFB];
	_ =	sdelay $0x3  }
0x98: {  	_ =	strace s17  }
0x99: {  	s3 =	sld [smem:$0x3FFC];
	_ =	sdelay $0x3  }
0x9a: {  	_ =	strace s3  }
0x9b: {  	s3 =	sld [smem:$0x3FFD];
	_ =	sdelay $0x3  }
0x9c: {  	_ =	strace s3  }
0x9d: {  	_ =	strace $0x8FFFFFFF  }
0x9e: {  	s18 =	sld [smem:$0x3FDB];
	_ =	sdelay $0x1  }
0x9f: {  	s19 =	simm.s32 $_scs_section_size  }
0xa0: {  	s5 =	simm.s32 $_size__tile_overlayer_lowered;
	s6 =	simm.s32 $_tile_overlayer_lowered  }
0xa1: {  	s22 =	simm.s32 $0x1BFF;
	s21 =	sshll.u32 s6, $0x1;
	s3 =	sadd.s32 s19, s18  }
0xa2: {  	s7 =	simm.s32 $0x0;
	s20 =	sshll.u32 s5, $0x1;
	s5 =	sadd.s32 s21, s3  }
0xa3: {  	[timem:s7], [sflag:s22] =	dma.local [hbm:s5], s20  }
0xa4: {  	_ =	swait.ge [sflag:s22], s20  }
0xa5: {  	s4 =	ssub.s32 $0x0, s20;
	[sflag:s22] =	ssyncset.done $0x0  }
0xa6: {  	[sflag:s22] =	ssyncadd.s32 s4;
	_ =	sdelay $0x1  }
0xa7: {  	s23 =	simm.s32 $0x1B8B  }
0xa8: {  	_ =	swait.ge [sflag:s23], $0x1  }
0xa9: {  	[sflag:s23] =	ssyncset.done $0x0  }
0xaa: {  	s25 =	simm.s32 $0x1B8E;
	s24 =	sld [smem:$0x3FFE];
	[sflag:s23] =	ssyncadd.s32 $0xFFFFFFFF  }
0xab: {  	s26 =	simm.s32 $execute0_lowered;
	[smem:$0x3FD2] =	sst s25  }
0xac: {  	s5 =	sshll.u32 s26, $0x1;
	_ =	strace $0x8000004C;
	[dreg:$0x1] =	wrdreg $0xFFFFFFFF  }
0xad: {  	s28 =	simm.s32 $_size_execute0_lowered;
	s3 =	sadd.s32 s3, s5;
	[dreg:$0x0] =	wrdreg $0x0  }
0xae: {  	s5 =	sshll.u32 s28, $0x1;
	[dreg:$0x2] =	wrdreg s3  }
0xaf: {  	[dreg:$0x3] =	wrdreg s5  }
0xb0: {  	[dreg:$0x4] =	wrdreg $0xC0  }
0xb1: {  	_ =	task [dreg:s7], $0x5FFFF  }
0xb2: {  	[dreg:$0x1] =	wrdreg $0xFFFFFFFF  }
0xb3: {  	[dreg:$0x0] =	wrdreg $0x60  }
0xb4: {  	[dreg:$0x2] =	wrdreg s24  }
0xb5: {  	[dreg:$0x3] =	wrdreg s16  }
0xb6: {  	[dreg:$0x4] =	wrdreg $0x42000  }
0xb7: {  	[dreg:$0x5] =	wrdreg $0x9  }
0xb8: {  	_ =	task.clear_ibuf [dreg:s7], $0x6FFFF;
	_ =	strace $0x9000004C  }
0xb9: {  	s29 =	simm.s32 $0x9;
	_ =	strace $0x8000004E  }
0xba: {  	_ =	swait.ge [sflag:s29], $0x1  }
0xbb: {  	[sflag:s29] =	ssyncadd.s32 $0xFFFFFFFF  }
0xbc: {  	_ =	strace $0x9000004E  }
0xbd: {  	_ =	sfence  }
0xbe: {  	s30 =	sld [smem:$0x0];
	_ =	sdelay $0x2  }
0xbf: {  	s31 =	sshll.u32 s1, $0xD;
	s1 =	sshrl.u32 s1, $0x2  }
0xc0: {  	s3 =	sand.u32 $0x4000, s31;
	s1 =	sadd.s32 s1, s30  }
0xc1: {  	s0 =	sor.u32 s3, s0;
	s1 =	sshll.u32 s1, $0x11  }
0xc2: {  	s0 =	sor.u32 s1, s0  }
0xc3: {  	s0 =	sadd.s32 $0x8F2B, s0  }
0xc4: {  	[sflag:s0] =	ssyncadd.remote.s32 $0x1  }
0xc5: {  	_ =	sfence.sel $0xFFFF  }
0xc6: {  	[dreg:$0x0] =	wrdreg $0xFFFFFFFF;
	(pc) =	sbr.abs _section_cstart, $3  }
0xc7: {  	[dreg:$0x1] =	wrdreg $0xFFFFFFFF  }
0xc8: {  	_ =	task.clear_ibuf [dreg:s7], $0x2FFFF;
	_ =	strace $0x9FFFFFFF  }
0xc9: {  	(tm) =	ssettm $0x7FFFFFFF  }
tec
execute0_lowered:
.L_overlay_start_1:
0x0: {  	(tag) =	ssettag $0x1  }
0x1: {  	s6 =	rddreg [dreg:$0x0]  }
0x2: {  	s1 =	rddreg [dreg:$0x1]  }
0x3: {  	s2 =	rddreg [dreg:$0x2]  }
0x4: {  	s0 =	rddreg [dreg:$0x3];
	s4 =	simm.s32 $0x0;
	s7 =	srdreg.scid  }
0x5: {  	s3 =	stileid.u32;
	s16 =	simm.s32 $0x50000;
	s17 =	simm.s32 $0x100  }
0x6: {  	s18 =	simm.s32 $0x1;
	s19 =	simm.s32 $0x200;
	s20 =	simm.s32 $0x2  }
0x7: {  	s21 =	simm.s32 $0x3;
	[smem:$0x7FF] =	sst s4;
	s8 =	smul.u32 $0x1400, s3  }
0x8: {  	s5 =	sadd.s32 $0x2400, s6;
	s7 =	sand.u32 $0x1, s7;
	s13 =	smul.u32 $0x28000, s3  }
0x9: {  	s12 =	sadd.s32 $0x7A400, s6;
	s26 =	smul.u32 $0x2800, s3;
	s28 =	sshll.u32 s3, $0x6  }
0xa: {  	_ =	strace $0x8000004D;
	s9 =	smul.u32 $0x14000, s7;
	s10 =	sshll.u32 s7, $0x4  }
0xb: {  	s11 =	ssub.s32 $0x2, s7;
	s23 =	smul.u32 $0x28000, s7;
	s7 =	sor.u32 $0x1C05, s28  }
0xc: {  	s10 =	sor.u32 s3, s10;
	s22 =	sshrl.u32 s11, $0x1;
	s24 =	sshrl.u32 s13, $0x2  }
0xd: {  	s8 =	sadd.s32 s8, s9;
	s10 =	smul.u32 $0x2800, s10;
	s11 =	ssub.s32 s11, s22  }
0xe: {  	s13 =	sadd.s32 s24, s2;
	s22 =	simm.s32 $0x2200;
	s24 =	simm.s32 $0x180  }
0xf: {  	s14 =	sadd.s32 s8, s6;
	s13 =	sshrl.u32 s13, $0x3;
	s25 =	sshrl.u32 s10, $0x3  }
0x10: {  	s10 =	sadd.s32 s26, s23;
	s9 =	sadd.s32 $0x16400, s14;
	s14 =	simm.s32 $0x5  }
0x11: {  	s23 =	simm.s32 $0x4;
	s6 =	sadd.s32 s12, s25;
	s29 =	sor.u32 $0x180, s10  }
0x12: {  	s15 =	sor.u32 $0x100, s10;
	s10 =	smax.u32 s11, $0x1;
	s25 =	simm.s32 $0x0  }
0x13: {  	s8 =	sadd.s32 $0x10, s6;
	s30 =	sshrl.u32 s29, $0x3;
	s31 =	sshrl.u32 s15, $0x3  }
0x14: {  	s15 =	simm.s32 $0x80;
	s11 =	sadd.s32 s30, s12;
	s12 =	sadd.s32 s31, s12  }
.LBB2_1:
0x15: {  	[spmem:s13], [sflag:s7] =	dma.local [hbm:s1], $0x1400  }
0x16: {  	_ =	swait.ge [sflag:s14], $0x1400  }
0x17: {  	[sflag:s14] =	ssyncset.done $0x0  }
0x18: {  	[sflag:s14] =	ssyncadd.s32 $0xFFFFEC00  }
0x19: {  	[bflag:$0x0] =	sbarrier.arrive $0xFFFF  }
0x1a: {  	[tilespmem:s4], [sflag:$0x1] =	stream.strided.gather [hbm4b:s6+s15], $0x100, s16, s15, $0x38;
	[tilespmem:$0xE200] =	vst v63  }
0x1b: {  	_ = 	snop  }
0x1c: {  	[tilespmem:s17], [sflag:$0x2] =	stream.strided.gather [hbm4b:s8+s15], $0x100, s16, s15, $0x38;
	[tilespmem:$0xE200] =	vst v63  }
0x1d: {  	_ =	swait.ge [sflag:s18], $0x100  }
0x1e: {  	[sflag:s18] =	ssyncset.done $0x0  }
0x1f: {  	[sflag:s18] =	ssyncadd.s32 $0xFFFFFF00  }
0x20: {  	[tilespmem:s19], [sflag:$0x3] =	stream.indirect.gather [hbm4b:s5+s15], $0x40, s4, s15, $0xb8;
	[tilespmem:$0xE200] =	vst v63  }
0x21: {  	_ =	swait.ge [sflag:s20], $0x100  }
0x22: {  	[sflag:s20] =	ssyncset.done $0x0  }
0x23: {  	[sflag:s20] =	ssyncadd.s32 $0xFFFFFF00  }
0x24: {  	_ =	swait.ge [sflag:s21], $0x2000  }
0x25: {  	[sflag:s21] =	ssyncset.done $0x0  }
0x26: {  	[sflag:s21] =	ssyncadd.s32 $0xFFFFE000  }
0x27: {  	[tilespmem:s22], [sflag:$0x4] =	stream.indirect.gather [hbm4b:s5+s15], $0x40, s17, s15, $0xb8;
	[tilespmem:$0xE200] =	vst v63  }
0x28: {  	_ = 	snop  }
0x29: {  	[spmem:s2] =	stream.indirect.scatter.add.f32 [tilespmem:s19], [sflag:$0x5], $0x40, s15, s15, $0xb8;
	[tilespmem:$0xE200] =	vst v63  }
0x2a: {  	_ =	swait.ge [sflag:s14], $0x2000  }
0x2b: {  	[sflag:s14] =	ssyncset.done $0x0  }
0x2c: {  	s26 =	sadd.s32 $0x0, s12;
	[sflag:s14] =	ssyncadd.s32 $0xFFFFE000  }
0x2d: {  	[tilespmem:s4], [sflag:$0x1] =	stream.strided.gather [hbm4b:s26+s15], $0x100, s16, s15, $0x38;
	[tilespmem:$0xE200] =	vst v63  }
0x2e: {  	_ =	swait.ge [sflag:s18], $0x100  }
0x2f: {  	[sflag:s18] =	ssyncset.done $0x0  }
0x30: {  	[sflag:s18] =	ssyncadd.s32 $0xFFFFFF00  }
0x31: {  	_ =	swait.ge [sflag:s23], $0x2000  }
0x32: {  	[sflag:s23] =	ssyncset.done $0x0  }
0x33: {  	[sflag:s23] =	ssyncadd.s32 $0xFFFFE000  }
0x34: {  	[tilespmem:s19], [sflag:$0x3] =	stream.indirect.gather [hbm4b:s5+s15], $0x40, s4, s15, $0xb8;
	[tilespmem:$0xE200] =	vst v63  }
0x35: {  	_ = 	snop  }
0x36: {  	[spmem:s2] =	stream.indirect.scatter.add.f32 [tilespmem:s22], [sflag:$0x5], $0x40, s24, s15, $0xb8;
	[tilespmem:$0xE200] =	vst v63  }
0x37: {  	_ =	swait.ge [sflag:s14], $0x2000  }
0x38: {  	[sflag:s14] =	ssyncset.done $0x0  }
0x39: {  	s28 =	sadd.s32 $0x0, s11;
	s26 =	simm.s32 $0x20;
	[sflag:s14] =	ssyncadd.s32 $0xFFFFE000  }
.LBB2_2:
0x3a: {  	[tilespmem:s17], [sflag:$0x2] =	stream.strided.gather [hbm4b:s28+s15], $0x100, s16, s15, $0x38;
	[tilespmem:$0xE200] =	vst v63  }
0x3b: {  	s28 =	smov.u32 s26  }
0x3c: {  	p0 =	sne.s32 s26, $0x4C0;
	s26 =	sadd.s32 $0x20, s26;
	_ =	swait.ge [sflag:s20], $0x100  }
0x3d: {  	[sflag:s20] =	ssyncset.done $0x0  }
0x3e: {  	[sflag:s20] =	ssyncadd.s32 $0xFFFFFF00  }
0x3f: {  	_ =	swait.ge [sflag:s21], $0x2000  }
0x40: {  	[sflag:s21] =	ssyncset.done $0x0  }
0x41: {  	[sflag:s21] =	ssyncadd.s32 $0xFFFFE000  }
0x42: {  	[tilespmem:s22], [sflag:$0x4] =	stream.indirect.gather [hbm4b:s5+s15], $0x40, s17, s15, $0xb8;
	[tilespmem:$0xE200] =	vst v63  }
0x43: {  	_ = 	snop  }
0x44: {  	[spmem:s2] =	stream.indirect.scatter.add.f32 [tilespmem:s19], [sflag:$0x5], $0x40, s15, s15, $0xb8;
	[tilespmem:$0xE200] =	vst v63  }
0x45: {  	_ =	swait.ge [sflag:s14], $0x2000  }
0x46: {  	[sflag:s14] =	ssyncset.done $0x0  }
0x47: {  	s29 =	sadd.s32 s28, s12;
	[sflag:s14] =	ssyncadd.s32 $0xFFFFE000  }
0x48: {  	[tilespmem:s4], [sflag:$0x1] =	stream.strided.gather [hbm4b:s29+s15], $0x100, s16, s15, $0x38;
	[tilespmem:$0xE200] =	vst v63  }
0x49: {  	_ =	swait.ge [sflag:s18], $0x100  }
0x4a: {  	[sflag:s18] =	ssyncset.done $0x0  }
0x4b: {  	[sflag:s18] =	ssyncadd.s32 $0xFFFFFF00  }
0x4c: {  	_ =	swait.ge [sflag:s23], $0x2000  }
0x4d: {  	[sflag:s23] =	ssyncset.done $0x0  }
0x4e: {  	[sflag:s23] =	ssyncadd.s32 $0xFFFFE000  }
0x4f: {  	[tilespmem:s19], [sflag:$0x3] =	stream.indirect.gather [hbm4b:s5+s15], $0x40, s4, s15, $0xb8;
	[tilespmem:$0xE200] =	vst v63  }
.Ltmp0:
0x50: {  	(pc) =	sbr.rel @p0 .LBB2_2-.Ltmp0, $4  }
0x51: {  	[spmem:s2] =	stream.indirect.scatter.add.f32 [tilespmem:s22], [sflag:$0x5], $0x40, s24, s15, $0xb8;
	[tilespmem:$0xE200] =	vst v63  }
0x52: {  	_ =	swait.ge [sflag:s14], $0x2000  }
0x53: {  	[sflag:s14] =	ssyncset.done $0x0  }
0x54: {  	s28 =	sadd.s32 s28, s11;
	[sflag:s14] =	ssyncadd.s32 $0xFFFFE000  }
0x55: {  	[tilespmem:s17], [sflag:$0x2] =	stream.strided.gather [hbm4b:s28+s15], $0x100, s16, s15, $0x38;
	[tilespmem:$0xE200] =	vst v63  }
0x56: {  	_ =	swait.ge [sflag:s20], $0x100  }
0x57: {  	[sflag:s20] =	ssyncset.done $0x0  }
0x58: {  	[sflag:s20] =	ssyncadd.s32 $0xFFFFFF00  }
0x59: {  	_ =	swait.ge [sflag:s21], $0x2000  }
0x5a: {  	[sflag:s21] =	ssyncset.done $0x0  }
0x5b: {  	[sflag:s21] =	ssyncadd.s32 $0xFFFFE000  }
0x5c: {  	[tilespmem:s22], [sflag:$0x4] =	stream.indirect.gather [hbm4b:s5+s15], $0x40, s17, s15, $0xb8;
	[tilespmem:$0xE200] =	vst v63  }
0x5d: {  	_ = 	snop  }
0x5e: {  	[spmem:s2] =	stream.indirect.scatter.add.f32 [tilespmem:s19], [sflag:$0x5], $0x40, s15, s15, $0xb8;
	[tilespmem:$0xE200] =	vst v63  }
0x5f: {  	_ =	swait.ge [sflag:s14], $0x2000  }
0x60: {  	[sflag:s14] =	ssyncset.done $0x0  }
0x61: {  	[sflag:s14] =	ssyncadd.s32 $0xFFFFE000  }
0x62: {  	[tilespmem:s4], [sflag:$0x1] =	stream.strided.gather [hbm4b:s6+s15], $0x100, s16, s15, $0x38;
	[tilespmem:$0xE200] =	vst v63  }
0x63: {  	_ =	swait.ge [sflag:s18], $0x100  }
0x64: {  	[sflag:s18] =	ssyncset.done $0x0  }
0x65: {  	[sflag:s18] =	ssyncadd.s32 $0xFFFFFF00  }
0x66: {  	_ =	swait.ge [sflag:s23], $0x2000  }
0x67: {  	[sflag:s23] =	ssyncset.done $0x0  }
0x68: {  	[sflag:s23] =	ssyncadd.s32 $0xFFFFE000  }
0x69: {  	[tilespmem:s19], [sflag:$0x3] =	stream.indirect.gather [hbm4b:s5+s15], $0x40, s4, s15, $0xb8;
	[tilespmem:$0xE200] =	vst v63  }
0x6a: {  	_ = 	snop  }
0x6b: {  	[spmem:s2] =	stream.indirect.scatter.add.f32 [tilespmem:s22], [sflag:$0x5], $0x40, s24, s15, $0xb8;
	[tilespmem:$0xE200] =	vst v63  }
0x6c: {  	_ =	swait.ge [sflag:s14], $0x2000  }
0x6d: {  	[sflag:s14] =	ssyncset.done $0x0  }
0x6e: {  	[sflag:s14] =	ssyncadd.s32 $0xFFFFE000  }
0x6f: {  	[tilespmem:s17], [sflag:$0x2] =	stream.strided.gather [hbm4b:s8+s15], $0x100, s16, s15, $0x38;
	[tilespmem:$0xE200] =	vst v63  }
0x70: {  	_ =	swait.ge [sflag:s20], $0x100  }
0x71: {  	[sflag:s20] =	ssyncset.done $0x0  }
0x72: {  	[sflag:s20] =	ssyncadd.s32 $0xFFFFFF00  }
0x73: {  	_ =	swait.ge [sflag:s21], $0x2000  }
0x74: {  	s25 =	sadd.s32 $0x1, s25;
	[sflag:s21] =	ssyncset.done $0x0  }
0x75: {  	p0 =	sne.s32 s25, s10;
	[sflag:s21] =	ssyncadd.s32 $0xFFFFE000  }
.Ltmp1:
0x76: {  	[bflag:$0x0] =	sbarrier.arrive $0xFFFF;
	(pc) =	sbr.rel @p0 .LBB2_1-.Ltmp1, $4  }
0x77: {  	[hbm:s9], [sflag:s7] =	dma.local [spmem:s13], $0x1400  }
0x78: {  	_ =	swait.ge [sflag:s14], $0x1400  }
0x79: {  	[sflag:s14] =	ssyncset.done $0x0  }
0x7a: {  	[sflag:s14] =	ssyncadd.s32 $0xFFFFEC00  }
0x7b: {  	_ =	sfence.sel $0x180000  }
0x7c: {  	[bflag:$0x0] =	sbarrier.arrive $0xFFFF  }
0x7d: {  	p0 =	sne.s32 s3, $0x0;
	_ =	strace $0x9000004D  }
0x7e: {  	s0 =	sadd.s32 @!p0 $0x100000, s0;
	[bflag:$0x2] =	sbarrier.arrive $0xFFFF  }
0x7f: {  	[sflag:s0] =	ssyncadd.tile.s32 @!p0 $0x1;
	_ =	shalt  }
.Lfunc_end2:
_tile_overlayer_lowered:
.L_overlay_start_2:
0x80: {  	(tag) =	ssettag $0x2  }
0x81: {  	s0 =	rddreg [dreg:$0x0];
	s2 =	stileid.u32  }
0x82: {  	s1 =	rddreg [dreg:$0x1];
	p0 =	sne.s32 s2, $0x0  }
0x83: {  	s3 =	rddreg [dreg:$0x2];
	[bflag:$0x3] =	sbarrier.arrive $0xFFFF;
	s2 =	simm.s32 @!p0 $0x1C05  }
0x84: {  	[timem:s3], [sflag:s2] =	dma.local @!p0 [hbm:s0], s1  }
0x85: {  	s0 =	simm.s32 @!p0 $0x5  }
0x86: {  	_ =	swait.ge @!p0 [sflag:s0], s1  }
0x87: {  	s1 =	ssub.s32 @!p0 $0x0, s1;
	[sflag:s0] =	ssyncset.done @!p0 $0x0  }
0x88: {  	[sflag:s0] =	ssyncadd.s32 @!p0 s1  }
0x89: {  	[bflag:$0x3] =	sbarrier.arrive $0xFFFF  }
0x8a: {  	_ =	shalt  }

// kernel: kernel.9.cloned.1.call-start
scs
__scs_entry_jumppad:
0x0: {  	(pc) =	sbr.rel $0x88, $3  }
0x1: {  	(tag) =	ssettag $0x0;
	lr =	simm.s32 $0x1  }
0x2: {  	[smem:$0x3F9B] =	sst lr;
	_ =	strace $0xD0000000  }
0x3: {  	_ = 	snop  }
0x4: {  	_ = 	snop  }
0x5: {  	_ = 	snop  }
0x6: {  	_ = 	snop  }
0x7: {  	_ = 	snop  }
__scs_overlays_trampoline_lowered:
0x8: {  	[smem:$0x3FAA] =	sst s0  }
0x9: {  	[smem:$0x3FAB] =	sst s1  }
0xa: {  	[smem:$0x3FAC] =	sst s2  }
0xb: {  	[smem:$0x3FAD] =	sst s3  }
0xc: {  	[smem:$0x3FAE] =	sst s4  }
0xd: {  	[smem:$0x3FAF] =	sst s5  }
0xe: {  	[smem:$0x3FB0] =	sst s6  }
0xf: {  	[smem:$0x3FB1] =	sst s7  }
0x10: {  	[smem:$0x3FB2] =	sst s8  }
0x11: {  	[smem:$0x3FB3] =	sst s9;
	s0 =	simm.s32 @!p0 $0x0  }
0x12: {  	s1 =	sld [smem:$0x3F99];
	s0 =	simm.s32 @p0 $0x1  }
0x13: {  	[smem:$0x3FB4] =	sst s0;
	s0 =	simm.s32 @!p1 $0x0  }
0x14: {  	s2 =	sld [smem:$0x3F98];
	s0 =	simm.s32 @p1 $0x1  }
0x15: {  	[smem:$0x3FB5] =	sst s0;
	s0 =	simm.s32 @!p2 $0x0  }
0x16: {  	s3 =	sld [smem:$0x3FDB];
	s0 =	simm.s32 @p2 $0x1  }
0x17: {  	s4 =	simm.s32 $0x1BF5;
	[smem:$0x3FB7] =	sst s0  }
0x18: {  	s0 =	sld [smem:$0x3F9A];
	_ =	swait.ge [sflag:s4], $0x0  }
0x19: {  	s7 =	sld [smem:$0x3F9B]  }
0x1a: {  	s8 =	sadd.s32 $0xFFFFE003, lr  }
0x1b: {  	s9 =	sadd.s32 $0xFFFFFEF7, lr;
	s5 =	simm.s32 $0xFFFFFFFF;
	p2 =	slt.u32 s8, $0xFFFFF086  }
0x1c: {  	p1 =	slt.u32 s9, $0xF7A;
	s5 =	simm.s32 @!p2 $0x0  }
0x1d: {  	s5 =	simm.s32 @p1 $0x1;
	p0 =	seq.s32 s7, s2  }
0x1e: {  	s7 =	smul.u32 @!p0 $0xF7A, s2;
	p2 =	seq.s32 @!p0 s5, $0x0  }
0x1f: {  	s9 =	smul.u32 $0xF7A, s1;
	s8 =	simm.s32 @!p0 $0x1BF5;
	p2 =	por !p2, p0  }
0x20: {  	[sflag:s8] =	ssyncset.s32 @!p0 $0xFFFFF086;
	s6 =	sadd.s32 @!p0 s3, s7;
	s7 =	simm.s32 @!p0 $0x108  }
0x21: {  	s3 =	sadd.s32 s3, s9;
	s6 =	sadd.s32 @!p0 $0x88, s6;
	s7 =	simm.s32 @p2 $0x1082  }
0x22: {  	[simem:s7], [sflag:s8] =	dma.local @!p0 [hbm:s6], $0xF7A  }
0x23: {  	s9 =	sor.u32 $0xD0000000, s2;
	s6 =	simm.s32 $0x108;
	_ =	swait.ge @!p0 [sflag:s8], $0x0  }
0x24: {  	s3 =	sadd.s32 $0x88, s3;
	s6 =	simm.s32 @!p1 $0x1082;
	[sflag:s4] =	ssyncset.s32 $0xFFFFF086  }
0x25: {  	[simem:s6], [sflag:s4] =	dma.local [hbm:s3], $0xF7A  }
0x26: {  	[smem:$0x3F9B] =	sst s1;
	(tag) =	ssettag s2;
	_ =	strace s9  }
0x27: {  	s1 =	sld [smem:$0x3FAB]  }
0x28: {  	s2 =	sld [smem:$0x3FAC]  }
0x29: {  	s4 =	sld [smem:$0x3FAE]  }
0x2a: {  	p0 =	seq.s32 s5, $0x0;
	s5 =	sld [smem:$0x3FAF]  }
0x2b: {  	s6 =	sld [smem:$0x3FB0]  }
0x2c: {  	s7 =	sld [smem:$0x3FB1]  }
0x2d: {  	s3 =	simm.s32 $0x108;
	s8 =	sld [smem:$0x3FB2]  }
0x2e: {  	s3 =	simm.s32 @!p0 $0x1082;
	s9 =	sld [smem:$0x3FB3]  }
0x2f: {  	lr =	sadd.s32 s0, s3;
	s0 =	sld [smem:$0x3FAA]  }
0x30: {  	s3 =	sld [smem:$0x3FAD]  }
0x31: {  	[smem:$0x3FB6] =	sst s10  }
0x32: {  	s10 =	sld [smem:$0x3FB4];
	_ =	sdelay $0x3  }
0x33: {  	p0 =	seq.s32 s10, $0x1;
	s10 =	sld [smem:$0x3FB6];
	_ =	sdelay $0x3  }
0x34: {  	[smem:$0x3FB6] =	sst s10  }
0x35: {  	s10 =	sld [smem:$0x3FB5];
	_ =	sdelay $0x3  }
0x36: {  	p1 =	seq.s32 s10, $0x1;
	s10 =	sld [smem:$0x3FB6];
	_ =	sdelay $0x3  }
0x37: {  	[smem:$0x3FB6] =	sst s10  }
0x38: {  	s10 =	sld [smem:$0x3FB7]  }
0x39: {  	_ = 	snop;
	(pc) =	sbr.ind lr, $3  }
0x3a: {  	_ = 	snop  }
0x3b: {  	_ = 	snop  }
0x3c: {  	p2 =	seq.s32 s10, $0x1;
	s10 =	sld [smem:$0x3FB6]  }
0x3d: {  	_ =	shalt  }
0x3e: {  	_ =	shalt  }
0x3f: {  	_ =	shalt  }
0x40: {  	_ =	shalt  }
0x41: {  	_ =	shalt  }
0x42: {  	_ =	shalt  }
0x43: {  	_ =	shalt  }
0x44: {  	_ =	shalt  }
0x45: {  	_ =	shalt  }
0x46: {  	_ =	shalt  }
0x47: {  	_ =	shalt  }
0x48: {  	_ =	shalt  }
0x49: {  	_ =	shalt  }
0x4a: {  	_ =	shalt  }
0x4b: {  	_ =	shalt  }
0x4c: {  	_ =	shalt  }
0x4d: {  	_ =	shalt  }
0x4e: {  	_ =	shalt  }
0x4f: {  	_ =	shalt  }
0x50: {  	_ =	shalt  }
0x51: {  	_ =	shalt  }
0x52: {  	_ =	shalt  }
0x53: {  	_ =	shalt  }
0x54: {  	_ =	shalt  }
0x55: {  	_ =	shalt  }
0x56: {  	_ =	shalt  }
0x57: {  	_ =	shalt  }
0x58: {  	_ =	shalt  }
0x59: {  	_ =	shalt  }
0x5a: {  	_ =	shalt  }
0x5b: {  	_ =	shalt  }
0x5c: {  	_ =	shalt  }
0x5d: {  	_ =	shalt  }
0x5e: {  	_ =	shalt  }
0x5f: {  	_ =	shalt  }
0x60: {  	_ =	shalt  }
0x61: {  	_ =	shalt  }
0x62: {  	_ =	shalt  }
0x63: {  	_ =	shalt  }
0x64: {  	_ =	shalt  }
0x65: {  	_ =	shalt  }
0x66: {  	_ =	shalt  }
0x67: {  	_ =	shalt  }
0x68: {  	_ =	shalt  }
0x69: {  	_ =	shalt  }
0x6a: {  	_ =	shalt  }
0x6b: {  	_ =	shalt  }
0x6c: {  	_ =	shalt  }
0x6d: {  	_ =	shalt  }
0x6e: {  	_ =	shalt  }
0x6f: {  	_ =	shalt  }
0x70: {  	_ =	shalt  }
0x71: {  	_ =	shalt  }
0x72: {  	_ =	shalt  }
0x73: {  	_ =	shalt  }
0x74: {  	_ =	shalt  }
0x75: {  	_ =	shalt  }
0x76: {  	_ =	shalt  }
0x77: {  	_ =	shalt  }
0x78: {  	_ =	shalt  }
0x79: {  	_ =	shalt  }
0x7a: {  	_ =	shalt  }
0x7b: {  	_ =	shalt  }
0x7c: {  	_ =	shalt  }
0x7d: {  	_ =	shalt  }
0x7e: {  	_ =	shalt  }
0x7f: {  	_ =	shalt  }
0x80: {  	_ =	shalt  }
0x81: {  	_ =	shalt  }
0x82: {  	_ =	shalt  }
0x83: {  	_ =	shalt  }
0x84: {  	_ =	shalt  }
0x85: {  	_ =	shalt  }
0x86: {  	_ =	shalt  }
0x87: {  	_ =	shalt  }
.Lfunc_end0:
.L_simem_size_0:
called_computation_lowered:
.L_overlay_start_0:
0x88: {  	s2 =	sld [smem:$0x3FD9]  }
0x89: {  	s3 =	sld [smem:$0x3FFE];
	_ =	sdelay $0x1  }
0x8a: {  	s1 =	srdreg.scid  }
0x8b: {  	s0 =	sand.u32 $0x1, s1  }
0x8c: {  	s14 =	sshll.u32 s0, $0xA;
	s2 =	sadd.s32 s3, s2  }
0x8d: {  	s2 =	sadd.s32 s2, s14  }
0x8e: {  	[smem:$0x3FC2] =	sst s2  }
0x8f: {  	_ = 	snop  }
0x90: {  	s2 =	sld [smem:$0x3FD0];
	_ =	sdelay $0x2  }
0x91: {  	s15 =	simm.s32 $0xA;
	s4 =	simm.s32 $0x10  }
0x92: {  	[smem:s4], [sflag:s15] =	dma.local [hbm:s2], $0x1  }
0x93: {  	_ =	swait.eq [sflag:s15], $0x1  }
0x94: {  	[sflag:s15] =	ssyncset.done $0x0  }
0x95: {  	s16 =	sld [smem:$0x10];
	[sflag:s15] =	ssyncadd.s32 $0xFFFFFFFF  }
0x96: {  	s17 =	sld [smem:$0x11];
	(tm) =	ssettm $0x1  }
0x97: {  	s18 =	sld [smem:$0x3FFB];
	_ =	sdelay $0x3  }
0x98: {  	_ =	strace s18  }
0x99: {  	s4 =	sld [smem:$0x3FFC];
	_ =	sdelay $0x3  }
0x9a: {  	_ =	strace s4  }
0x9b: {  	s4 =	sld [smem:$0x3FFD];
	_ =	sdelay $0x3  }
0x9c: {  	_ =	strace s4  }
0x9d: {  	_ =	strace $0x8FFFFFFF  }
0x9e: {  	s19 =	sld [smem:$0x3FDB];
	_ =	sdelay $0x1  }
0x9f: {  	s5 =	simm.s32 $_scs_section_size  }
0xa0: {  	s6 =	simm.s32 $_size__tile_overlayer_lowered;
	s7 =	simm.s32 $_tile_overlayer_lowered  }
0xa1: {  	s22 =	simm.s32 $0x1BFF;
	s21 =	sshll.u32 s7, $0x1;
	s4 =	sadd.s32 s5, s19  }
0xa2: {  	s8 =	simm.s32 $0x0;
	s20 =	sshll.u32 s6, $0x1;
	s6 =	sadd.s32 s21, s4  }
0xa3: {  	[timem:s8], [sflag:s22] =	dma.local [hbm:s6], s20  }
0xa4: {  	_ =	swait.ge [sflag:s22], s20  }
0xa5: {  	s5 =	ssub.s32 $0x0, s20;
	[sflag:s22] =	ssyncset.done $0x0  }
0xa6: {  	[sflag:s22] =	ssyncadd.s32 s5;
	_ =	sdelay $0x1  }
0xa7: {  	s23 =	simm.s32 $0x1B8B  }
0xa8: {  	_ =	swait.ge [sflag:s23], $0x1  }
0xa9: {  	[sflag:s23] =	ssyncset.done $0x0  }
0xaa: {  	s25 =	simm.s32 $0x1B8E;
	s24 =	sld [smem:$0x3FFE];
	[sflag:s23] =	ssyncadd.s32 $0xFFFFFFFF  }
0xab: {  	s26 =	simm.s32 $execute0_lowered;
	[smem:$0x3FD2] =	sst s25  }
0xac: {  	s6 =	sshll.u32 s26, $0x1;
	_ =	strace $0x80000046;
	[dreg:$0x1] =	wrdreg $0xFFFFFFFF  }
0xad: {  	s28 =	simm.s32 $_size_execute0_lowered;
	s4 =	sadd.s32 s4, s6;
	[dreg:$0x0] =	wrdreg $0x0  }
0xae: {  	s6 =	sshll.u32 s28, $0x1;
	[dreg:$0x2] =	wrdreg s4  }
0xaf: {  	[dreg:$0x3] =	wrdreg s6  }
0xb0: {  	[dreg:$0x4] =	wrdreg $0xC0  }
0xb1: {  	_ =	task [dreg:s8], $0x5FFFF  }
0xb2: {  	[dreg:$0x1] =	wrdreg $0xFFFFFFFF  }
0xb3: {  	[dreg:$0x0] =	wrdreg $0x60  }
0xb4: {  	[dreg:$0x2] =	wrdreg s17  }
0xb5: {  	[dreg:$0x3] =	wrdreg s24  }
0xb6: {  	[dreg:$0x4] =	wrdreg s16  }
0xb7: {  	[dreg:$0x5] =	wrdreg $0x2800  }
0xb8: {  	[dreg:$0x6] =	wrdreg $0x5000  }
0xb9: {  	[dreg:$0x7] =	wrdreg $0x9  }
0xba: {  	_ =	task.clear_ibuf [dreg:s8], $0x8FFFF;
	_ =	strace $0x90000046  }
0xbb: {  	s29 =	simm.s32 $0x9;
	_ =	strace $0x80000048  }
0xbc: {  	_ =	swait.ge [sflag:s29], $0x1  }
0xbd: {  	[sflag:s29] =	ssyncadd.s32 $0xFFFFFFFF  }
0xbe: {  	_ =	strace $0x90000048  }
0xbf: {  	_ =	sfence  }
0xc0: {  	s30 =	sld [smem:$0x0];
	_ =	sdelay $0x2  }
0xc1: {  	s31 =	sshll.u32 s1, $0xD;
	s1 =	sshrl.u32 s1, $0x2  }
0xc2: {  	s3 =	sand.u32 $0x4000, s31;
	s1 =	sadd.s32 s1, s30  }
0xc3: {  	s0 =	sor.u32 s3, s0;
	s1 =	sshll.u32 s1, $0x11  }
0xc4: {  	s0 =	sor.u32 s1, s0  }
0xc5: {  	s0 =	sadd.s32 $0x8F2B, s0  }
0xc6: {  	[sflag:s0] =	ssyncadd.remote.s32 $0x1  }
0xc7: {  	_ =	sfence.sel $0xFFFF  }
0xc8: {  	[dreg:$0x0] =	wrdreg $0xFFFFFFFF;
	(pc) =	sbr.abs _section_cstart, $3  }
0xc9: {  	[dreg:$0x1] =	wrdreg $0xFFFFFFFF  }
0xca: {  	_ =	task.clear_ibuf [dreg:s8], $0x2FFFF;
	_ =	strace $0x9FFFFFFF  }
0xcb: {  	(tm) =	ssettm $0x7FFFFFFF  }
tec
execute0_lowered:
.L_overlay_start_1:
0x0: {  	(tag) =	ssettag $0x1  }
0x1: {  	s12 =	rddreg [dreg:$0x0]  }
0x2: {  	s5 =	rddreg [dreg:$0x1]  }
0x3: {  	s9 =	rddreg [dreg:$0x2]  }
0x4: {  	s1 =	rddreg [dreg:$0x3];
	s0 =	srdreg.scid  }
0x5: {  	s3 =	rddreg [dreg:$0x4];
	s2 =	stileid.u32  }
0x6: {  	s4 =	simm.s32 $0x0;
	s17 =	simm.s32 $0x100;
	s18 =	simm.s32 $0x1  }
0x7: {  	s19 =	simm.s32 $0x80;
	s20 =	simm.s32 $0x200;
	s21 =	simm.s32 $0x2  }
0x8: {  	s22 =	simm.s32 $0x180;
	s6 =	sand.u32 $0x1, s0;
	s0 =	rddreg [dreg:$0x5]  }
0x9: {  	s23 =	simm.s32 $0x0;
	s8 =	smul.u32 $0x280, s2;
	[smem:$0x7FF] =	sst s4  }
0xa: {  	s5 =	sadd.s32 $0x2400, s5;
	s30 =	sshll.u32 s2, $0x6;
	s15 =	smul.u32 $0x50, s2  }
0xb: {  	s7 =	sshll.u32 s6, $0x4;
	s10 =	ssub.s32 $0x2, s6;
	s13 =	smul.u32 $0x2800, s6  }
0xc: {  	_ =	strace $0x80000047;
	s29 =	smul.u32 $0x500, s6;
	s6 =	sor.u32 $0x1C03, s30  }
0xd: {  	s7 =	sor.u32 s2, s7;
	s11 =	sshrl.u32 s10, $0x1;
	s14 =	sadd.s32 s8, s1  }
0xe: {  	s16 =	sadd.s32 s8, s3;
	s7 =	smul.u32 $0xA00, s7;
	s11 =	ssub.s32 s10, s11  }
0xf: {  	s8 =	sadd.s32 s8, s13;
	s10 =	sadd.s32 s15, s29;
	s14 =	sshrl.u32 s14, $0x3  }
0x10: {  	s15 =	simm.s32 $0x3;
	s16 =	sshrl.u32 s16, $0x3;
	s13 =	sshrl.u32 s8, $0x3  }
0x11: {  	s31 =	sshll.u32 s10, $0x5;
	s11 =	smax.u32 s11, $0x1;
	s7 =	sadd.s32 s12, s7  }
0x12: {  	s9 =	sadd.s32 s9, s13;
	s13 =	sadd.s32 s31, s12;
	s8 =	sadd.s32 $0x20, s7  }
0x13: {  	v0 =	vimm.f32 $1.000000000e+00;
	s10 =	sadd.s32 $0xA00, s9;
	s12 =	sadd.s32 $0x60, s13;
	s13 =	sadd.s32 $0x40, s13  }
.LBB2_1:
0x14: {  	[spmem:s14], [sflag:s6] =	dma.local [hbm:s5], $0x50  }
0x15: {  	_ =	swait.ge [sflag:s15], $0x50  }
0x16: {  	[sflag:s15] =	ssyncset.done $0x0  }
0x17: {  	[sflag:s15] =	ssyncadd.s32 $0xFFFFFFB0  }
0x18: {  	[spmem:s16], [sflag:s6] =	dma.local [hbm:s5], $0x50  }
0x19: {  	_ =	swait.ge [sflag:s15], $0x50  }
0x1a: {  	[sflag:s15] =	ssyncset.done $0x0  }
0x1b: {  	[sflag:s15] =	ssyncadd.s32 $0xFFFFFFB0  }
0x1c: {  	[tilespmem:$0x200] =	vst v0  }
0x1d: {  	[tilespmem:$0x210] =	vst v0  }
0x1e: {  	[tilespmem:$0x220] =	vst v0  }
0x1f: {  	[tilespmem:$0x230] =	vst v0  }
0x20: {  	[tilespmem:$0x240] =	vst v0  }
0x21: {  	[tilespmem:$0x250] =	vst v0  }
0x22: {  	[tilespmem:$0x260] =	vst v0  }
0x23: {  	[tilespmem:$0x270] =	vst v0  }
0x24: {  	[bflag:$0x0] =	sbarrier.arrive $0xFFFF  }
0x25: {  	[tilespmem:s4], [sflag:$0x1] =	stream.linear.gather [hbm4b:s7+s4], $0x100, $0x38;
	[tilespmem:$0x780] =	vst v63  }
0x26: {  	_ = 	snop  }
0x27: {  	[tilespmem:s17], [sflag:$0x2] =	stream.linear.gather [hbm4b:s8+s4], $0x100, $0x38;
	[tilespmem:$0x780] =	vst v63  }
0x28: {  	_ =	swait.ge [sflag:s18], $0x100  }
0x29: {  	[sflag:s18] =	ssyncset.done $0x0  }
0x2a: {  	[sflag:s18] =	ssyncadd.s32 $0xFFFFFF00  }
0x2b: {  	[spmem:s1] =	stream.indirect.scatter.add.f32 [tilespmem:s20], [sflag:$0x3], $0x1, s4, s19, $0xb8;
	[tilespmem:$0x780] =	vst v63  }
0x2c: {  	_ =	swait.ge [sflag:s15], $0x80  }
0x2d: {  	[sflag:s15] =	ssyncset.done $0x0  }
0x2e: {  	[sflag:s15] =	ssyncadd.s32 $0xFFFFFF80  }
0x2f: {  	[spmem:s3] =	stream.indirect.scatter.add.f32 [tilespmem:s20], [sflag:$0x3], $0x1, s19, s19, $0xb8;
	[tilespmem:$0x780] =	vst v63  }
0x30: {  	_ =	swait.ge [sflag:s15], $0x80  }
0x31: {  	[sflag:s15] =	ssyncset.done $0x0  }
0x32: {  	s24 =	sadd.s32 $0x0, s13;
	[sflag:s15] =	ssyncadd.s32 $0xFFFFFF80  }
0x33: {  	[tilespmem:s4], [sflag:$0x1] =	stream.linear.gather [hbm4b:s24+s4], $0x100, $0x38;
	[tilespmem:$0x780] =	vst v63  }
0x34: {  	_ =	swait.ge [sflag:s21], $0x100  }
0x35: {  	[sflag:s21] =	ssyncset.done $0x0  }
0x36: {  	[sflag:s21] =	ssyncadd.s32 $0xFFFFFF00  }
0x37: {  	[spmem:s1] =	stream.indirect.scatter.add.f32 [tilespmem:s20], [sflag:$0x3], $0x1, s17, s19, $0xb8;
	[tilespmem:$0x780] =	vst v63  }
0x38: {  	_ =	swait.ge [sflag:s15], $0x80  }
0x39: {  	[sflag:s15] =	ssyncset.done $0x0  }
0x3a: {  	[sflag:s15] =	ssyncadd.s32 $0xFFFFFF80  }
0x3b: {  	[spmem:s3] =	stream.indirect.scatter.add.f32 [tilespmem:s20], [sflag:$0x3], $0x1, s22, s19, $0xb8;
	[tilespmem:$0x780] =	vst v63  }
0x3c: {  	_ =	swait.ge [sflag:s15], $0x80  }
0x3d: {  	[sflag:s15] =	ssyncset.done $0x0  }
0x3e: {  	s25 =	sadd.s32 $0x0, s12;
	s24 =	simm.s32 $0x40;
	[sflag:s15] =	ssyncadd.s32 $0xFFFFFF80  }
.LBB2_2:
0x3f: {  	[tilespmem:s17], [sflag:$0x2] =	stream.linear.gather [hbm4b:s25+s4], $0x100, $0x38;
	[tilespmem:$0x780] =	vst v63  }
0x40: {  	s25 =	smov.u32 s24  }
0x41: {  	p0 =	sne.s32 s24, $0x980;
	s24 =	sadd.s32 $0x40, s24;
	_ =	swait.ge [sflag:s18], $0x100  }
0x42: {  	[sflag:s18] =	ssyncset.done $0x0  }
0x43: {  	[sflag:s18] =	ssyncadd.s32 $0xFFFFFF00  }
0x44: {  	[spmem:s1] =	stream.indirect.scatter.add.f32 [tilespmem:s20], [sflag:$0x3], $0x1, s4, s19, $0xb8;
	[tilespmem:$0x780] =	vst v63  }
0x45: {  	_ =	swait.ge [sflag:s15], $0x80  }
0x46: {  	[sflag:s15] =	ssyncset.done $0x0  }
0x47: {  	[sflag:s15] =	ssyncadd.s32 $0xFFFFFF80  }
0x48: {  	[spmem:s3] =	stream.indirect.scatter.add.f32 [tilespmem:s20], [sflag:$0x3], $0x1, s19, s19, $0xb8;
	[tilespmem:$0x780] =	vst v63  }
0x49: {  	_ =	swait.ge [sflag:s15], $0x80  }
0x4a: {  	[sflag:s15] =	ssyncset.done $0x0  }
0x4b: {  	s26 =	sadd.s32 s25, s13;
	[sflag:s15] =	ssyncadd.s32 $0xFFFFFF80  }
0x4c: {  	[tilespmem:s4], [sflag:$0x1] =	stream.linear.gather [hbm4b:s26+s4], $0x100, $0x38;
	[tilespmem:$0x780] =	vst v63  }
0x4d: {  	_ =	swait.ge [sflag:s21], $0x100  }
0x4e: {  	[sflag:s21] =	ssyncset.done $0x0  }
0x4f: {  	[sflag:s21] =	ssyncadd.s32 $0xFFFFFF00  }
0x50: {  	[spmem:s1] =	stream.indirect.scatter.add.f32 [tilespmem:s20], [sflag:$0x3], $0x1, s17, s19, $0xb8;
	[tilespmem:$0x780] =	vst v63  }
0x51: {  	_ =	swait.ge [sflag:s15], $0x80  }
0x52: {  	[sflag:s15] =	ssyncset.done $0x0  }
.Ltmp0:
0x53: {  	[sflag:s15] =	ssyncadd.s32 $0xFFFFFF80;
	(pc) =	sbr.rel @p0 .LBB2_2-.Ltmp0, $4  }
0x54: {  	[spmem:s3] =	stream.indirect.scatter.add.f32 [tilespmem:s20], [sflag:$0x3], $0x1, s22, s19, $0xb8;
	[tilespmem:$0x780] =	vst v63  }
0x55: {  	_ =	swait.ge [sflag:s15], $0x80  }
0x56: {  	[sflag:s15] =	ssyncset.done $0x0  }
0x57: {  	s25 =	sadd.s32 s25, s12;
	[sflag:s15] =	ssyncadd.s32 $0xFFFFFF80  }
0x58: {  	[tilespmem:s17], [sflag:$0x2] =	stream.linear.gather [hbm4b:s25+s4], $0x100, $0x38;
	[tilespmem:$0x780] =	vst v63  }
0x59: {  	_ =	swait.ge [sflag:s18], $0x100  }
0x5a: {  	[sflag:s18] =	ssyncset.done $0x0  }
0x5b: {  	[sflag:s18] =	ssyncadd.s32 $0xFFFFFF00  }
0x5c: {  	[spmem:s1] =	stream.indirect.scatter.add.f32 [tilespmem:s20], [sflag:$0x3], $0x1, s4, s19, $0xb8;
	[tilespmem:$0x780] =	vst v63  }
0x5d: {  	_ =	swait.ge [sflag:s15], $0x80  }
0x5e: {  	[sflag:s15] =	ssyncset.done $0x0  }
0x5f: {  	[sflag:s15] =	ssyncadd.s32 $0xFFFFFF80  }
0x60: {  	[spmem:s3] =	stream.indirect.scatter.add.f32 [tilespmem:s20], [sflag:$0x3], $0x1, s19, s19, $0xb8;
	[tilespmem:$0x780] =	vst v63  }
0x61: {  	_ =	swait.ge [sflag:s15], $0x80  }
0x62: {  	[sflag:s15] =	ssyncset.done $0x0  }
0x63: {  	[sflag:s15] =	ssyncadd.s32 $0xFFFFFF80  }
0x64: {  	[tilespmem:s4], [sflag:$0x1] =	stream.linear.gather [hbm4b:s7+s4], $0x100, $0x38;
	[tilespmem:$0x780] =	vst v63  }
0x65: {  	_ =	swait.ge [sflag:s21], $0x100  }
0x66: {  	[sflag:s21] =	ssyncset.done $0x0  }
0x67: {  	[sflag:s21] =	ssyncadd.s32 $0xFFFFFF00  }
0x68: {  	[spmem:s1] =	stream.indirect.scatter.add.f32 [tilespmem:s20], [sflag:$0x3], $0x1, s17, s19, $0xb8;
	[tilespmem:$0x780] =	vst v63  }
0x69: {  	_ =	swait.ge [sflag:s15], $0x80  }
0x6a: {  	[sflag:s15] =	ssyncset.done $0x0  }
0x6b: {  	[sflag:s15] =	ssyncadd.s32 $0xFFFFFF80  }
0x6c: {  	[spmem:s3] =	stream.indirect.scatter.add.f32 [tilespmem:s20], [sflag:$0x3], $0x1, s22, s19, $0xb8;
	[tilespmem:$0x780] =	vst v63  }
0x6d: {  	_ =	swait.ge [sflag:s15], $0x80  }
0x6e: {  	[sflag:s15] =	ssyncset.done $0x0  }
0x6f: {  	[sflag:s15] =	ssyncadd.s32 $0xFFFFFF80  }
0x70: {  	[tilespmem:s17], [sflag:$0x2] =	stream.linear.gather [hbm4b:s8+s4], $0x100, $0x38;
	[tilespmem:$0x780] =	vst v63  }
0x71: {  	_ =	swait.ge [sflag:s18], $0x100  }
0x72: {  	[sflag:s18] =	ssyncset.done $0x0  }
0x73: {  	[sflag:s18] =	ssyncadd.s32 $0xFFFFFF00  }
0x74: {  	_ =	swait.ge [sflag:s21], $0x100  }
0x75: {  	[sflag:s21] =	ssyncset.done $0x0  }
0x76: {  	[sflag:s21] =	ssyncadd.s32 $0xFFFFFF00  }
0x77: {  	[bflag:$0x0] =	sbarrier.arrive $0xFFFF  }
0x78: {  	[hbm:s9], [sflag:s6] =	dma.local [spmem:s14], $0x50  }
0x79: {  	s23 =	sadd.s32 $0x1, s23;
	_ =	swait.ge [sflag:s15], $0x50  }
0x7a: {  	p0 =	sne.s32 s23, s11;
	[sflag:s15] =	ssyncset.done $0x0  }
.Ltmp1:
0x7b: {  	[sflag:s15] =	ssyncadd.s32 $0xFFFFFFB0;
	(pc) =	sbr.rel @p0 .LBB2_1-.Ltmp1, $4  }
0x7c: {  	[hbm:s10], [sflag:s6] =	dma.local [spmem:s16], $0x50  }
0x7d: {  	_ =	swait.ge [sflag:s15], $0x50  }
0x7e: {  	[sflag:s15] =	ssyncset.done $0x0  }
0x7f: {  	[sflag:s15] =	ssyncadd.s32 $0xFFFFFFB0  }
0x80: {  	_ =	sfence.sel $0x180000  }
0x81: {  	[bflag:$0x0] =	sbarrier.arrive $0xFFFF  }
0x82: {  	p0 =	sne.s32 s2, $0x0;
	_ =	strace $0x90000047  }
0x83: {  	s0 =	sadd.s32 @!p0 $0x100000, s0;
	[bflag:$0x2] =	sbarrier.arrive $0xFFFF  }
0x84: {  	[sflag:s0] =	ssyncadd.tile.s32 @!p0 $0x1;
	_ =	shalt  }
.Lfunc_end2:
_tile_overlayer_lowered:
.L_overlay_start_2:
0x85: {  	(tag) =	ssettag $0x2  }
0x86: {  	s0 =	rddreg [dreg:$0x0];
	s2 =	stileid.u32  }
0x87: {  	s1 =	rddreg [dreg:$0x1];
	p0 =	sne.s32 s2, $0x0  }
0x88: {  	s3 =	rddreg [dreg:$0x2];
	[bflag:$0x3] =	sbarrier.arrive $0xFFFF;
	s2 =	simm.s32 @!p0 $0x1C03  }
0x89: {  	[timem:s3], [sflag:s2] =	dma.local @!p0 [hbm:s0], s1  }
0x8a: {  	s0 =	simm.s32 @!p0 $0x3  }
0x8b: {  	_ =	swait.ge @!p0 [sflag:s0], s1  }
0x8c: {  	s1 =	ssub.s32 @!p0 $0x0, s1;
	[sflag:s0] =	ssyncset.done @!p0 $0x0  }
0x8d: {  	[sflag:s0] =	ssyncadd.s32 @!p0 s1  }
0x8e: {  	[bflag:$0x3] =	sbarrier.arrive $0xFFFF  }
0x8f: {  	_ =	shalt  }

</sc_bundles>
